<compile_context>
chip_gen: v7x
topology: tpu7x:2x2x1
jax: 0.10.2.dev20260603
libtpu: 0.0.44.dev20260713+nightly
codegen_flags: <defaults>
</compile_context>

<pallas_src>
import functools

import jax
import jax.numpy as jnp
from jax import lax
from jax.experimental import pallas as pl
from jax.experimental.pallas import tpu as pltpu
from jax.experimental.pallas import tpu_sc as plsc

NUM_EMBEDDINGS = 100000
EMBEDDING_DIM = 64
BATCH = 1024

_NC = 2
_NS = 16
_NW = _NC * _NS
_NGROUP = 8
_GB = BATCH // _NGROUP
_NQ = 4
_QF = EMBEDDING_DIM // _NQ


@functools.partial(
    pl.kernel,
    mesh=plsc.VectorSubcoreMesh(core_axis_name="c", subcore_axis_name="s"),
    out_type=jax.ShapeDtypeStruct((EMBEDDING_DIM, BATCH), jnp.float32),
    scratch_types=[
        pltpu.VMEM((_GB,), jnp.int32),
        pltpu.VMEM((_GB,), jnp.int32),
        pltpu.VMEM((_GB, 128), jnp.float32),
        pltpu.VMEM((_QF, _GB), jnp.float32),
        pltpu.SemaphoreType.DMA,
    ],
    compiler_params=pltpu.CompilerParams(needs_layout_passes=False),
)
def _gather_packed(idx_hbm, w2_hbm, outt_hbm, idx_v, pidx_v, rows_v, out_v, sem):
    wid = lax.axis_index("s") * _NC + lax.axis_index("c")
    g = wid // _NQ
    q = wid % _NQ
    base = g * _GB
    pltpu.sync_copy(idx_hbm.at[pl.ds(base, _GB)], idx_v)
    for k in range(_GB // 16):
        xi = idx_v[pl.ds(k * 16, 16)]
        pidx_v[pl.ds(k * 16, 16)] = xi >> 1
    pltpu.async_copy(w2_hbm.at[pidx_v], rows_v, sem).wait()
    lane = lax.iota(jnp.int32, 16)
    for k in range(_GB // 16):
        xi = idx_v[pl.ds(k * 16, 16)]
        col0 = (xi & 1) * 64 + q * _QF
        row_ids = lane + (k * 16)
        for f in range(_QF):
            vals = plsc.load_gather(rows_v, [row_ids, col0 + f])
            out_v[f, pl.ds(k * 16, 16)] = vals
    pltpu.sync_copy(out_v, outt_hbm.at[pl.ds(q * _QF, _QF), pl.ds(base, _GB)])


def kernel(x, W):
    outt = _gather_packed(x.astype(jnp.int32), W.reshape(NUM_EMBEDDINGS // 2, 128))
    return outt.T

# --- scband reference (transcript-rebuilt; emitter-appended) ---
"""Pipeline reference for scband-embedding-82532091560154 (READ-ONLY COPY).

The authoritative reference and input builder live on the scoring server;
editing this copy changes nothing except your own understanding.
"""

import jax, jax.numpy as jnp
import numpy as np

NUM_EMBEDDINGS = 100000
EMBEDDING_DIM = 64
BATCH = 1024

def _trunc_normal(key, shape, mean=0.0, std=1.0, a=-3.0, b=3.0):
    # truncated normal init matching torch.nn.init.trunc_normal_
    u = jax.random.truncated_normal(key, a, b, shape, dtype=jnp.float32)
    return u * std + mean

def setup_inputs(seed: int = 0) -> dict:
    key = jax.random.key(seed)
    k_idx, k_w = jax.random.split(key)
    x = jax.random.randint(k_idx, (BATCH,), 0, NUM_EMBEDDINGS, dtype=jnp.int64 if jax.config.jax_enable_x64 else jnp.int32)
    W = _trunc_normal(k_w, (NUM_EMBEDDINGS, EMBEDDING_DIM))
    return {"x": x, "W": W}

def reference(x, W):
    # Original module computes one_hot(x) @ W, which is mathematically
    # identical to a row gather from the embedding table.
    return jnp.take(W, x, axis=0)

if __name__ == "__main__":
    import jax
    _d = setup_inputs()
    print(jax.jit(kernel)(*tuple(_d.values())))

</pallas_src>

<mosaic_0001>
#map = affine_map<(d0, d1) -> (0)>
#map1 = affine_map<(d0, d1) -> (0, 0)>
module attributes {stable_mosaic.version = 14 : i64} {
  func.func @_gather_packed(%arg0: i32, %arg1: i32, %arg2: memref<1024xi32, #tpu.memory_space<hbm>>, %arg3: memref<50000x128xf32, #tpu.memory_space<hbm>>, %arg4: memref<64x1024xf32, #tpu.memory_space<hbm>>, %arg5: memref<128xi32, #tpu.memory_space<vmem>>, %arg6: memref<128xi32, #tpu.memory_space<vmem>>, %arg7: memref<128x128xf32, #tpu.memory_space<vmem>>, %arg8: memref<16x128xf32, #tpu.memory_space<vmem>>, %arg9: memref<!tpu.dma_semaphore, #tpu.memory_space<semaphore_mem>>) attributes {dimension_semantics = [#tpu.dimension_semantics<core_parallel>, #tpu.dimension_semantics<subcore_parallel>], iteration_bounds = array<i64: 2, 16>, scalar_prefetch = 0 : i64, scratch_operands = 5 : i64, tpu.core_type = #tpu.core_type<sc_vector_subcore>, window_params = [{transform_indices = #map}, {transform_indices = #map1}, {transform_indices = #map1}]} {
    %mul3A = arith.constant 2 : i32
    %mul3A_0 = arith.muli %arg1, %mul3A : i32
    %add3A = arith.addi %mul3A_0, %arg0 : i32
    %jit3A = arith.constant 4 : i32
    %div3A = arith.divsi %add3A, %jit3A : i32
    %sign3A = arith.constant 0 : i32
    %sign3A_1 = arith.cmpi sgt, %add3A, %sign3A : i32
    %sign3A_2 = arith.extui %sign3A_1 : i1 to i32
    %sign3A_3 = arith.constant 0 : i32
    %sign3A_4 = arith.cmpi slt, %add3A, %sign3A_3 : i32
    %sign3A_5 = arith.extui %sign3A_4 : i1 to i32
    %sign3A_6 = arith.subi %sign3A_2, %sign3A_5 : i32
    %sign3A_7 = arith.constant 0 : i32
    %sign3A_8 = arith.cmpi sgt, %jit3A, %sign3A_7 : i32
    %sign3A_9 = arith.extui %sign3A_8 : i1 to i32
    %sign3A_10 = arith.constant 0 : i32
    %sign3A_11 = arith.cmpi slt, %jit3A, %sign3A_10 : i32
    %sign3A_12 = arith.extui %sign3A_11 : i1 to i32
    %sign3A_13 = arith.subi %sign3A_9, %sign3A_12 : i32
    %ne3A = arith.cmpi ne, %sign3A_6, %sign3A_13 : i32
    %rem3A = arith.remsi %add3A, %jit3A : i32
    %ne3A_14 = arith.constant 0 : i32
    %ne3A_15 = arith.cmpi ne, %rem3A, %ne3A_14 : i32
    %and3A = arith.andi %ne3A, %ne3A_15 : i1
    %sub3A = arith.constant 1 : i32
    %sub3A_16 = arith.subi %div3A, %sub3A : i32
    %select_n3A = arith.select %and3A, %sub3A_16, %div3A : i32
    %jit3A_17 = arith.constant 4 : i32
    %eq3A = arith.constant 0 : i32
    %eq3A_18 = arith.cmpi eq, %jit3A_17, %eq3A : i32
    %jit3A_19 = arith.constant 1 : i32
    %select_n3A_20 = arith.select %eq3A_18, %jit3A_19, %jit3A_17 : i32
    %rem3A_21 = arith.remsi %add3A, %select_n3A_20 : i32
    %ne3A_22 = arith.constant 0 : i32
    %ne3A_23 = arith.cmpi ne, %rem3A_21, %ne3A_22 : i32
    %lt3A = arith.constant 0 : i32
    %lt3A_24 = arith.cmpi slt, %rem3A_21, %lt3A : i32
    %lt3A_25 = arith.constant 0 : i32
    %lt3A_26 = arith.cmpi slt, %select_n3A_20, %lt3A_25 : i32
    %ne3A_27 = arith.xori %lt3A_24, %lt3A_26 : i1
    %and3A_28 = arith.andi %ne3A_27, %ne3A_23 : i1
    %add3A_29 = arith.addi %rem3A_21, %select_n3A_20 : i32
    %select_n3A_30 = arith.select %and3A_28, %add3A_29, %rem3A_21 : i32
    %mul3A_31 = arith.constant 128 : i32
    %mul3A_32 = arith.muli %select_n3A, %mul3A_31 : i32
    "tpu.region"() ({
      %run_scoped3A = tpu.sem_alloc : memref<!tpu.dma_semaphore, #tpu.memory_space<semaphore_mem>>
      %dma_start3A_1235 = tpu.memref_slice %arg2[%mul3A_32] : memref<1024xi32, #tpu.memory_space<hbm>> -> memref<128xi32, #tpu.memory_space<hbm>>
      %dma_start3A_1236 = tpu.memref_slice %arg2[%mul3A_32] : memref<1024xi32, #tpu.memory_space<hbm>> -> memref<128xi32, #tpu.memory_space<hbm>>
      tpu.enqueue_dma source(%dma_start3A_1236 : memref<128xi32, #tpu.memory_space<hbm>>) target(%arg5 : memref<128xi32, #tpu.memory_space<vmem>>) target_semaphore(%run_scoped3A : memref<!tpu.dma_semaphore, #tpu.memory_space<semaphore_mem>>)
      %dma_wait3A_1237 = tpu.memref_slice %arg2[%mul3A_32] : memref<1024xi32, #tpu.memory_space<hbm>> -> memref<128xi32, #tpu.memory_space<hbm>>
      %dma_wait3A_1238 = tpu.memref_slice %arg2[%mul3A_32] : memref<1024xi32, #tpu.memory_space<hbm>> -> memref<128xi32, #tpu.memory_space<hbm>>
      tpu.wait_dma2 semaphore(%run_scoped3A : memref<!tpu.dma_semaphore, #tpu.memory_space<semaphore_mem>>) src(%dma_wait3A_1238 : memref<128xi32, #tpu.memory_space<hbm>>) dst(%arg5 : memref<128xi32, #tpu.memory_space<vmem>>)
      tpu.yield
    }) : () -> ()
    %get3A = arith.constant 0 : index
    %get3A_33 = tpu.vector_load %arg5[%get3A] {strides = array<i32>} : memref<128xi32, #tpu.memory_space<vmem>>, vector<16xi32>,
    %shift_right_arithmetic3A = arith.constant 1 : i32
    %shift_right_arithmetic3A_34 = vector.broadcast %shift_right_arithmetic3A : i32 to vector<16xi32>
    %shift_right_arithmetic3A_35 = arith.shrsi %get3A_33, %shift_right_arithmetic3A_34 : vector<16xi32>
    %swap3A = arith.constant 0 : index
    %swap3A_36 = tpu.vector_load %arg6[%swap3A] {strides = array<i32>} : memref<128xi32, #tpu.memory_space<vmem>>, vector<16xi32>,
    tpu.vector_store %arg6[%swap3A], %shift_right_arithmetic3A_35 {strides = array<i32>} : memref<128xi32, #tpu.memory_space<vmem>>, vector<16xi32>,
    %get3A_37 = arith.constant 16 : index
    %get3A_38 = tpu.vector_load %arg5[%get3A_37] {strides = array<i32>} : memref<128xi32, #tpu.memory_space<vmem>>, vector<16xi32>,
    %shift_right_arithmetic3A_39 = arith.constant 1 : i32
    %shift_right_arithmetic3A_40 = vector.broadcast %shift_right_arithmetic3A_39 : i32 to vector<16xi32>
    %shift_right_arithmetic3A_41 = arith.shrsi %get3A_38, %shift_right_arithmetic3A_40 : vector<16xi32>
    %swap3A_42 = arith.constant 16 : index
    %swap3A_43 = tpu.vector_load %arg6[%swap3A_42] {strides = array<i32>} : memref<128xi32, #tpu.memory_space<vmem>>, vector<16xi32>,
    tpu.vector_store %arg6[%swap3A_42], %shift_right_arithmetic3A_41 {strides = array<i32>} : memref<128xi32, #tpu.memory_space<vmem>>, vector<16xi32>,
    %get3A_44 = arith.constant 32 : index
    %get3A_45 = tpu.vector_load %arg5[%get3A_44] {strides = array<i32>} : memref<128xi32, #tpu.memory_space<vmem>>, vector<16xi32>,
    %shift_right_arithmetic3A_46 = arith.constant 1 : i32
    %shift_right_arithmetic3A_47 = vector.broadcast %shift_right_arithmetic3A_46 : i32 to vector<16xi32>
    %shift_right_arithmetic3A_48 = arith.shrsi %get3A_45, %shift_right_arithmetic3A_47 : vector<16xi32>
    %swap3A_49 = arith.constant 32 : index
    %swap3A_50 = tpu.vector_load %arg6[%swap3A_49] {strides = array<i32>} : memref<128xi32, #tpu.memory_space<vmem>>, vector<16xi32>,
    tpu.vector_store %arg6[%swap3A_49], %shift_right_arithmetic3A_48 {strides = array<i32>} : memref<128xi32, #tpu.memory_space<vmem>>, vector<16xi32>,
    %get3A_51 = arith.constant 48 : index
    %get3A_52 = tpu.vector_load %arg5[%get3A_51] {strides = array<i32>} : memref<128xi32, #tpu.memory_space<vmem>>, vector<16xi32>,
    %shift_right_arithmetic3A_53 = arith.constant 1 : i32
    %shift_right_arithmetic3A_54 = vector.broadcast %shift_right_arithmetic3A_53 : i32 to vector<16xi32>
    %shift_right_arithmetic3A_55 = arith.shrsi %get3A_52, %shift_right_arithmetic3A_54 : vector<16xi32>
    %swap3A_56 = arith.constant 48 : index
    %swap3A_57 = tpu.vector_load %arg6[%swap3A_56] {strides = array<i32>} : memref<128xi32, #tpu.memory_space<vmem>>, vector<16xi32>,
    tpu.vector_store %arg6[%swap3A_56], %shift_right_arithmetic3A_55 {strides = array<i32>} : memref<128xi32, #tpu.memory_space<vmem>>, vector<16xi32>,
    %get3A_58 = arith.constant 64 : index
    %get3A_59 = tpu.vector_load %arg5[%get3A_58] {strides = array<i32>} : memref<128xi32, #tpu.memory_space<vmem>>, vector<16xi32>,
    %shift_right_arithmetic3A_60 = arith.constant 1 : i32
    %shift_right_arithmetic3A_61 = vector.broadcast %shift_right_arithmetic3A_60 : i32 to vector<16xi32>
    %shift_right_arithmetic3A_62 = arith.shrsi %get3A_59, %shift_right_arithmetic3A_61 : vector<16xi32>
    %swap3A_63 = arith.constant 64 : index
    %swap3A_64 = tpu.vector_load %arg6[%swap3A_63] {strides = array<i32>} : memref<128xi32, #tpu.memory_space<vmem>>, vector<16xi32>,
    tpu.vector_store %arg6[%swap3A_63], %shift_right_arithmetic3A_62 {strides = array<i32>} : memref<128xi32, #tpu.memory_space<vmem>>, vector<16xi32>,
    %get3A_65 = arith.constant 80 : index
    %get3A_66 = tpu.vector_load %arg5[%get3A_65] {strides = array<i32>} : memref<128xi32, #tpu.memory_space<vmem>>, vector<16xi32>,
    %shift_right_arithmetic3A_67 = arith.constant 1 : i32
    %shift_right_arithmetic3A_68 = vector.broadcast %shift_right_arithmetic3A_67 : i32 to vector<16xi32>
    %shift_right_arithmetic3A_69 = arith.shrsi %get3A_66, %shift_right_arithmetic3A_68 : vector<16xi32>
    %swap3A_70 = arith.constant 80 : index
    %swap3A_71 = tpu.vector_load %arg6[%swap3A_70] {strides = array<i32>} : memref<128xi32, #tpu.memory_space<vmem>>, vector<16xi32>,
    tpu.vector_store %arg6[%swap3A_70], %shift_right_arithmetic3A_69 {strides = array<i32>} : memref<128xi32, #tpu.memory_space<vmem>>, vector<16xi32>,
    %get3A_72 = arith.constant 96 : index
    %get3A_73 = tpu.vector_load %arg5[%get3A_72] {strides = array<i32>} : memref<128xi32, #tpu.memory_space<vmem>>, vector<16xi32>,
    %shift_right_arithmetic3A_74 = arith.constant 1 : i32
    %shift_right_arithmetic3A_75 = vector.broadcast %shift_right_arithmetic3A_74 : i32 to vector<16xi32>
    %shift_right_arithmetic3A_76 = arith.shrsi %get3A_73, %shift_right_arithmetic3A_75 : vector<16xi32>
    %swap3A_77 = arith.constant 96 : index
    %swap3A_78 = tpu.vector_load %arg6[%swap3A_77] {strides = array<i32>} : memref<128xi32, #tpu.memory_space<vmem>>, vector<16xi32>,
    tpu.vector_store %arg6[%swap3A_77], %shift_right_arithmetic3A_76 {strides = array<i32>} : memref<128xi32, #tpu.memory_space<vmem>>, vector<16xi32>,
    %get3A_79 = arith.constant 112 : index
    %get3A_80 = tpu.vector_load %arg5[%get3A_79] {strides = array<i32>} : memref<128xi32, #tpu.memory_space<vmem>>, vector<16xi32>,
    %shift_right_arithmetic3A_81 = arith.constant 1 : i32
    %shift_right_arithmetic3A_82 = vector.broadcast %shift_right_arithmetic3A_81 : i32 to vector<16xi32>
    %shift_right_arithmetic3A_83 = arith.shrsi %get3A_80, %shift_right_arithmetic3A_82 : vector<16xi32>
    %swap3A_84 = arith.constant 112 : index
    %swap3A_85 = tpu.vector_load %arg6[%swap3A_84] {strides = array<i32>} : memref<128xi32, #tpu.memory_space<vmem>>, vector<16xi32>,
    tpu.vector_store %arg6[%swap3A_84], %shift_right_arithmetic3A_83 {strides = array<i32>} : memref<128xi32, #tpu.memory_space<vmem>>, vector<16xi32>,
    %dma_start3A = arith.constant 0 : i32
    %dma_start3A_86 = arith.constant 0 : i32
    %dma_start3A_87 = tpu.memref_slice %arg3[%dma_start3A, %dma_start3A_86] : memref<50000x128xf32, #tpu.memory_space<hbm>> -> memref<50000x128xf32, #tpu.memory_space<hbm>>
    tpu.enqueue_indirect_dma source(%dma_start3A_87 : memref<50000x128xf32, #tpu.memory_space<hbm>>) target(%arg7 : memref<128x128xf32, #tpu.memory_space<vmem>>) offsets(%arg6 : memref<128xi32, #tpu.memory_space<vmem>>) semaphore(%arg9 : memref<!tpu.dma_semaphore, #tpu.memory_space<semaphore_mem>>)
    %dma_wait3A = arith.constant 0 : i32
    %dma_wait3A_88 = arith.constant 0 : i32
    %dma_wait3A_89 = tpu.memref_slice %arg3[%dma_wait3A, %dma_wait3A_88] : memref<50000x128xf32, #tpu.memory_space<hbm>> -> memref<50000x128xf32, #tpu.memory_space<hbm>>
    tpu.wait_indirect_dma semaphore(%arg9 : memref<!tpu.dma_semaphore, #tpu.memory_space<semaphore_mem>>) src(%dma_wait3A_89 : memref<50000x128xf32, #tpu.memory_space<hbm>>) dst(%arg7 : memref<128x128xf32, #tpu.memory_space<vmem>>)
    %iota3A = tpu.iota {dimensions = array<i32: 0>} : vector<16xi32>
    %get3A_90 = arith.constant 0 : index
    %get3A_91 = tpu.vector_load %arg5[%get3A_90] {strides = array<i32>} : memref<128xi32, #tpu.memory_space<vmem>>, vector<16xi32>,
    %and3A_92 = arith.constant 1 : i32
    %and3A_93 = vector.broadcast %and3A_92 : i32 to vector<16xi32>
    %and3A_94 = arith.andi %get3A_91, %and3A_93 : vector<16xi32>
    %mul3A_95 = arith.constant 64 : i32
    %mul3A_96 = vector.broadcast %mul3A_95 : i32 to vector<16xi32>
    %mul3A_97 = arith.muli %and3A_94, %mul3A_96 : vector<16xi32>
    %mul3A_98 = arith.constant 16 : i32
    %mul3A_99 = arith.muli %select_n3A_30, %mul3A_98 : i32
    %add3A_100 = vector.broadcast %mul3A_99 : i32 to vector<16xi32>
    %add3A_101 = arith.addi %mul3A_97, %add3A_100 : vector<16xi32>
    %add3A_102 = arith.constant 0 : i32
    %add3A_103 = vector.broadcast %add3A_102 : i32 to vector<16xi32>
    %add3A_104 = arith.addi %iota3A, %add3A_103 : vector<16xi32>
    %add3A_105 = arith.constant 0 : i32
    %add3A_106 = vector.broadcast %add3A_105 : i32 to vector<16xi32>
    %add3A_107 = arith.addi %add3A_101, %add3A_106 : vector<16xi32>
    %gather3A = tpu.vector_load_idx %arg7[%add3A_104, %add3A_107] : memref<128x128xf32, #tpu.memory_space<vmem>>[vector<16xi32>, vector<16xi32>], vector<16xf32>,
    %swap3A_108 = arith.constant 0 : i32
    %swap3A_109 = arith.index_cast %swap3A_108 : i32 to index
    %swap3A_110 = arith.constant 0 : index
    %swap3A_111 = tpu.vector_load %arg8[%swap3A_109, %swap3A_110] {strides = array<i32>} : memref<16x128xf32, #tpu.memory_space<vmem>>, vector<16xf32>,
    tpu.vector_store %arg8[%swap3A_109, %swap3A_110], %gather3A {strides = array<i32>} : memref<16x128xf32, #tpu.memory_space<vmem>>, vector<16xf32>,
    %add3A_112 = arith.constant 1 : i32
    %add3A_113 = vector.broadcast %add3A_112 : i32 to vector<16xi32>
    %add3A_114 = arith.addi %add3A_101, %add3A_113 : vector<16xi32>
    %gather3A_115 = tpu.vector_load_idx %arg7[%add3A_104, %add3A_114] : memref<128x128xf32, #tpu.memory_space<vmem>>[vector<16xi32>, vector<16xi32>], vector<16xf32>,
    %swap3A_116 = arith.constant 1 : i32
    %swap3A_117 = arith.index_cast %swap3A_116 : i32 to index
    %swap3A_118 = arith.constant 0 : index
    %swap3A_119 = tpu.vector_load %arg8[%swap3A_117, %swap3A_118] {strides = array<i32>} : memref<16x128xf32, #tpu.memory_space<vmem>>, vector<16xf32>,
    tpu.vector_store %arg8[%swap3A_117, %swap3A_118], %gather3A_115 {strides = array<i32>} : memref<16x128xf32, #tpu.memory_space<vmem>>, vector<16xf32>,
    %add3A_120 = arith.constant 2 : i32
    %add3A_121 = vector.broadcast %add3A_120 : i32 to vector<16xi32>
    %add3A_122 = arith.addi %add3A_101, %add3A_121 : vector<16xi32>
    %gather3A_123 = tpu.vector_load_idx %arg7[%add3A_104, %add3A_122] : memref<128x128xf32, #tpu.memory_space<vmem>>[vector<16xi32>, vector<16xi32>], vector<16xf32>,
    %swap3A_124 = arith.constant 2 : i32
    %swap3A_125 = arith.index_cast %swap3A_124 : i32 to index
    %swap3A_126 = arith.constant 0 : index
    %swap3A_127 = tpu.vector_load %arg8[%swap3A_125, %swap3A_126] {strides = array<i32>} : memref<16x128xf32, #tpu.memory_space<vmem>>, vector<16xf32>,
    tpu.vector_store %arg8[%swap3A_125, %swap3A_126], %gather3A_123 {strides = array<i32>} : memref<16x128xf32, #tpu.memory_space<vmem>>, vector<16xf32>,
    %add3A_128 = arith.constant 3 : i32
    %add3A_129 = vector.broadcast %add3A_128 : i32 to vector<16xi32>
    %add3A_130 = arith.addi %add3A_101, %add3A_129 : vector<16xi32>
    %gather3A_131 = tpu.vector_load_idx %arg7[%add3A_104, %add3A_130] : memref<128x128xf32, #tpu.memory_space<vmem>>[vector<16xi32>, vector<16xi32>], vector<16xf32>,
    %swap3A_132 = arith.constant 3 : i32
    %swap3A_133 = arith.index_cast %swap3A_132 : i32 to index
    %swap3A_134 = arith.constant 0 : index
    %swap3A_135 = tpu.vector_load %arg8[%swap3A_133, %swap3A_134] {strides = array<i32>} : memref<16x128xf32, #tpu.memory_space<vmem>>, vector<16xf32>,
    tpu.vector_store %arg8[%swap3A_133, %swap3A_134], %gather3A_131 {strides = array<i32>} : memref<16x128xf32, #tpu.memory_space<vmem>>, vector<16xf32>,
    %add3A_136 = arith.constant 4 : i32
    %add3A_137 = vector.broadcast %add3A_136 : i32 to vector<16xi32>
    %add3A_138 = arith.addi %add3A_101, %add3A_137 : vector<16xi32>
    %gather3A_139 = tpu.vector_load_idx %arg7[%add3A_104, %add3A_138] : memref<128x128xf32, #tpu.memory_space<vmem>>[vector<16xi32>, vector<16xi32>], vector<16xf32>,
    %swap3A_140 = arith.constant 4 : i32
    %swap3A_141 = arith.index_cast %swap3A_140 : i32 to index
    %swap3A_142 = arith.constant 0 : index
    %swap3A_143 = tpu.vector_load %arg8[%swap3A_141, %swap3A_142] {strides = array<i32>} : memref<16x128xf32, #tpu.memory_space<vmem>>, vector<16xf32>,
    tpu.vector_store %arg8[%swap3A_141, %swap3A_142], %gather3A_139 {strides = array<i32>} : memref<16x128xf32, #tpu.memory_space<vmem>>, vector<16xf32>,
    %add3A_144 = arith.constant 5 : i32
    %add3A_145 = vector.broadcast %add3A_144 : i32 to vector<16xi32>
    %add3A_146 = arith.addi %add3A_101, %add3A_145 : vector<16xi32>
    %gather3A_147 = tpu.vector_load_idx %arg7[%add3A_104, %add3A_146] : memref<128x128xf32, #tpu.memory_space<vmem>>[vector<16xi32>, vector<16xi32>], vector<16xf32>,
    %swap3A_148 = arith.constant 5 : i32
    %swap3A_149 = arith.index_cast %swap3A_148 : i32 to index
    %swap3A_150 = arith.constant 0 : index
    %swap3A_151 = tpu.vector_load %arg8[%swap3A_149, %swap3A_150] {strides = array<i32>} : memref<16x128xf32, #tpu.memory_space<vmem>>, vector<16xf32>,
    tpu.vector_store %arg8[%swap3A_149, %swap3A_150], %gather3A_147 {strides = array<i32>} : memref<16x128xf32, #tpu.memory_space<vmem>>, vector<16xf32>,
    %add3A_152 = arith.constant 6 : i32
    %add3A_153 = vector.broadcast %add3A_152 : i32 to vector<16xi32>
    %add3A_154 = arith.addi %add3A_101, %add3A_153 : vector<16xi32>
    %gather3A_155 = tpu.vector_load_idx %arg7[%add3A_104, %add3A_154] : memref<128x128xf32, #tpu.memory_space<vmem>>[vector<16xi32>, vector<16xi32>], vector<16xf32>,
    %swap3A_156 = arith.constant 6 : i32
    %swap3A_157 = arith.index_cast %swap3A_156 : i32 to index
    %swap3A_158 = arith.constant 0 : index
    %swap3A_159 = tpu.vector_load %arg8[%swap3A_157, %swap3A_158] {strides = array<i32>} : memref<16x128xf32, #tpu.memory_space<vmem>>, vector<16xf32>,
    tpu.vector_store %arg8[%swap3A_157, %swap3A_158], %gather3A_155 {strides = array<i32>} : memref<16x128xf32, #tpu.memory_space<vmem>>, vector<16xf32>,
    %add3A_160 = arith.constant 7 : i32
    %add3A_161 = vector.broadcast %add3A_160 : i32 to vector<16xi32>
    %add3A_162 = arith.addi %add3A_101, %add3A_161 : vector<16xi32>
    %gather3A_163 = tpu.vector_load_idx %arg7[%add3A_104, %add3A_162] : memref<128x128xf32, #tpu.memory_space<vmem>>[vector<16xi32>, vector<16xi32>], vector<16xf32>,
    %swap3A_164 = arith.constant 7 : i32
    %swap3A_165 = arith.index_cast %swap3A_164 : i32 to index
    %swap3A_166 = arith.constant 0 : index
    %swap3A_167 = tpu.vector_load %arg8[%swap3A_165, %swap3A_166] {strides = array<i32>} : memref<16x128xf32, #tpu.memory_space<vmem>>, vector<16xf32>,
    tpu.vector_store %arg8[%swap3A_165, %swap3A_166], %gather3A_163 {strides = array<i32>} : memref<16x128xf32, #tpu.memory_space<vmem>>, vector<16xf32>,
    %add3A_168 = arith.constant 8 : i32
    %add3A_169 = vector.broadcast %add3A_168 : i32 to vector<16xi32>
    %add3A_170 = arith.addi %add3A_101, %add3A_169 : vector<16xi32>
    %gather3A_171 = tpu.vector_load_idx %arg7[%add3A_104, %add3A_170] : memref<128x128xf32, #tpu.memory_space<vmem>>[vector<16xi32>, vector<16xi32>], vector<16xf32>,
    %swap3A_172 = arith.constant 8 : i32
    %swap3A_173 = arith.index_cast %swap3A_172 : i32 to index
    %swap3A_174 = arith.constant 0 : index
    %swap3A_175 = tpu.vector_load %arg8[%swap3A_173, %swap3A_174] {strides = array<i32>} : memref<16x128xf32, #tpu.memory_space<vmem>>, vector<16xf32>,
    tpu.vector_store %arg8[%swap3A_173, %swap3A_174], %gather3A_171 {strides = array<i32>} : memref<16x128xf32, #tpu.memory_space<vmem>>, vector<16xf32>,
    %add3A_176 = arith.constant 9 : i32
    %add3A_177 = vector.broadcast %add3A_176 : i32 to vector<16xi32>
    %add3A_178 = arith.addi %add3A_101, %add3A_177 : vector<16xi32>
    %gather3A_179 = tpu.vector_load_idx %arg7[%add3A_104, %add3A_178] : memref<128x128xf32, #tpu.memory_space<vmem>>[vector<16xi32>, vector<16xi32>], vector<16xf32>,
    %swap3A_180 = arith.constant 9 : i32
    %swap3A_181 = arith.index_cast %swap3A_180 : i32 to index
    %swap3A_182 = arith.constant 0 : index
    %swap3A_183 = tpu.vector_load %arg8[%swap3A_181, %swap3A_182] {strides = array<i32>} : memref<16x128xf32, #tpu.memory_space<vmem>>, vector<16xf32>,
    tpu.vector_store %arg8[%swap3A_181, %swap3A_182], %gather3A_179 {strides = array<i32>} : memref<16x128xf32, #tpu.memory_space<vmem>>, vector<16xf32>,
    %add3A_184 = arith.constant 10 : i32
    %add3A_185 = vector.broadcast %add3A_184 : i32 to vector<16xi32>
    %add3A_186 = arith.addi %add3A_101, %add3A_185 : vector<16xi32>
    %gather3A_187 = tpu.vector_load_idx %arg7[%add3A_104, %add3A_186] : memref<128x128xf32, #tpu.memory_space<vmem>>[vector<16xi32>, vector<16xi32>], vector<16xf32>,
    %swap3A_188 = arith.constant 10 : i32
    %swap3A_189 = arith.index_cast %swap3A_188 : i32 to index
    %swap3A_190 = arith.constant 0 : index
    %swap3A_191 = tpu.vector_load %arg8[%swap3A_189, %swap3A_190] {strides = array<i32>} : memref<16x128xf32, #tpu.memory_space<vmem>>, vector<16xf32>,
    tpu.vector_store %arg8[%swap3A_189, %swap3A_190], %gather3A_187 {strides = array<i32>} : memref<16x128xf32, #tpu.memory_space<vmem>>, vector<16xf32>,
    %add3A_192 = arith.constant 11 : i32
    %add3A_193 = vector.broadcast %add3A_192 : i32 to vector<16xi32>
    %add3A_194 = arith.addi %add3A_101, %add3A_193 : vector<16xi32>
    %gather3A_195 = tpu.vector_load_idx %arg7[%add3A_104, %add3A_194] : memref<128x128xf32, #tpu.memory_space<vmem>>[vector<16xi32>, vector<16xi32>], vector<16xf32>,
    %swap3A_196 = arith.constant 11 : i32
    %swap3A_197 = arith.index_cast %swap3A_196 : i32 to index
    %swap3A_198 = arith.constant 0 : index
    %swap3A_199 = tpu.vector_load %arg8[%swap3A_197, %swap3A_198] {strides = array<i32>} : memref<16x128xf32, #tpu.memory_space<vmem>>, vector<16xf32>,
    tpu.vector_store %arg8[%swap3A_197, %swap3A_198], %gather3A_195 {strides = array<i32>} : memref<16x128xf32, #tpu.memory_space<vmem>>, vector<16xf32>,
    %add3A_200 = arith.constant 12 : i32
    %add3A_201 = vector.broadcast %add3A_200 : i32 to vector<16xi32>
    %add3A_202 = arith.addi %add3A_101, %add3A_201 : vector<16xi32>
    %gather3A_203 = tpu.vector_load_idx %arg7[%add3A_104, %add3A_202] : memref<128x128xf32, #tpu.memory_space<vmem>>[vector<16xi32>, vector<16xi32>], vector<16xf32>,
    %swap3A_204 = arith.constant 12 : i32
    %swap3A_205 = arith.index_cast %swap3A_204 : i32 to index
    %swap3A_206 = arith.constant 0 : index
    %swap3A_207 = tpu.vector_load %arg8[%swap3A_205, %swap3A_206] {strides = array<i32>} : memref<16x128xf32, #tpu.memory_space<vmem>>, vector<16xf32>,
    tpu.vector_store %arg8[%swap3A_205, %swap3A_206], %gather3A_203 {strides = array<i32>} : memref<16x128xf32, #tpu.memory_space<vmem>>, vector<16xf32>,
    %add3A_208 = arith.constant 13 : i32
    %add3A_209 = vector.broadcast %add3A_208 : i32 to vector<16xi32>
    %add3A_210 = arith.addi %add3A_101, %add3A_209 : vector<16xi32>
    %gather3A_211 = tpu.vector_load_idx %arg7[%add3A_104, %add3A_210] : memref<128x128xf32, #tpu.memory_space<vmem>>[vector<16xi32>, vector<16xi32>], vector<16xf32>,
    %swap3A_212 = arith.constant 13 : i32
    %swap3A_213 = arith.index_cast %swap3A_212 : i32 to index
    %swap3A_214 = arith.constant 0 : index
    %swap3A_215 = tpu.vector_load %arg8[%swap3A_213, %swap3A_214] {strides = array<i32>} : memref<16x128xf32, #tpu.memory_space<vmem>>, vector<16xf32>,
    tpu.vector_store %arg8[%swap3A_213, %swap3A_214], %gather3A_211 {strides = array<i32>} : memref<16x128xf32, #tpu.memory_space<vmem>>, vector<16xf32>,
    %add3A_216 = arith.constant 14 : i32
    %add3A_217 = vector.broadcast %add3A_216 : i32 to vector<16xi32>
    %add3A_218 = arith.addi %add3A_101, %add3A_217 : vector<16xi32>
    %gather3A_219 = tpu.vector_load_idx %arg7[%add3A_104, %add3A_218] : memref<128x128xf32, #tpu.memory_space<vmem>>[vector<16xi32>, vector<16xi32>], vector<16xf32>,
    %swap3A_220 = arith.constant 14 : i32
    %swap3A_221 = arith.index_cast %swap3A_220 : i32 to index
    %swap3A_222 = arith.constant 0 : index
    %swap3A_223 = tpu.vector_load %arg8[%swap3A_221, %swap3A_222] {strides = array<i32>} : memref<16x128xf32, #tpu.memory_space<vmem>>, vector<16xf32>,
    tpu.vector_store %arg8[%swap3A_221, %swap3A_222], %gather3A_219 {strides = array<i32>} : memref<16x128xf32, #tpu.memory_space<vmem>>, vector<16xf32>,
    %add3A_224 = arith.constant 15 : i32
    %add3A_225 = vector.broadcast %add3A_224 : i32 to vector<16xi32>
    %add3A_226 = arith.addi %add3A_101, %add3A_225 : vector<16xi32>
    %gather3A_227 = tpu.vector_load_idx %arg7[%add3A_104, %add3A_226] : memref<128x128xf32, #tpu.memory_space<vmem>>[vector<16xi32>, vector<16xi32>], vector<16xf32>,
    %swap3A_228 = arith.constant 15 : i32
    %swap3A_229 = arith.index_cast %swap3A_228 : i32 to index
    %swap3A_230 = arith.constant 0 : index
    %swap3A_231 = tpu.vector_load %arg8[%swap3A_229, %swap3A_230] {strides = array<i32>} : memref<16x128xf32, #tpu.memory_space<vmem>>, vector<16xf32>,
    tpu.vector_store %arg8[%swap3A_229, %swap3A_230], %gather3A_227 {strides = array<i32>} : memref<16x128xf32, #tpu.memory_space<vmem>>, vector<16xf32>,
    %get3A_232 = arith.constant 16 : index
    %get3A_233 = tpu.vector_load %arg5[%get3A_232] {strides = array<i32>} : memref<128xi32, #tpu.memory_space<vmem>>, vector<16xi32>,
    %and3A_234 = arith.constant 1 : i32
    %and3A_235 = vector.broadcast %and3A_234 : i32 to vector<16xi32>
    %and3A_236 = arith.andi %get3A_233, %and3A_235 : vector<16xi32>
    %mul3A_237 = arith.constant 64 : i32
    %mul3A_238 = vector.broadcast %mul3A_237 : i32 to vector<16xi32>
    %mul3A_239 = arith.muli %and3A_236, %mul3A_238 : vector<16xi32>
    %mul3A_240 = arith.constant 16 : i32
    %mul3A_241 = arith.muli %select_n3A_30, %mul3A_240 : i32
    %add3A_242 = vector.broadcast %mul3A_241 : i32 to vector<16xi32>
    %add3A_243 = arith.addi %mul3A_239, %add3A_242 : vector<16xi32>
    %add3A_244 = arith.constant 16 : i32
    %add3A_245 = vector.broadcast %add3A_244 : i32 to vector<16xi32>
    %add3A_246 = arith.addi %iota3A, %add3A_245 : vector<16xi32>
    %add3A_247 = arith.constant 0 : i32
    %add3A_248 = vector.broadcast %add3A_247 : i32 to vector<16xi32>
    %add3A_249 = arith.addi %add3A_243, %add3A_248 : vector<16xi32>
    %gather3A_250 = tpu.vector_load_idx %arg7[%add3A_246, %add3A_249] : memref<128x128xf32, #tpu.memory_space<vmem>>[vector<16xi32>, vector<16xi32>], vector<16xf32>,
    %swap3A_251 = arith.constant 0 : i32
    %swap3A_252 = arith.index_cast %swap3A_251 : i32 to index
    %swap3A_253 = arith.constant 16 : index
    %swap3A_254 = tpu.vector_load %arg8[%swap3A_252, %swap3A_253] {strides = array<i32>} : memref<16x128xf32, #tpu.memory_space<vmem>>, vector<16xf32>,
    tpu.vector_store %arg8[%swap3A_252, %swap3A_253], %gather3A_250 {strides = array<i32>} : memref<16x128xf32, #tpu.memory_space<vmem>>, vector<16xf32>,
    %add3A_255 = arith.constant 1 : i32
    %add3A_256 = vector.broadcast %add3A_255 : i32 to vector<16xi32>
    %add3A_257 = arith.addi %add3A_243, %add3A_256 : vector<16xi32>
    %gather3A_258 = tpu.vector_load_idx %arg7[%add3A_246, %add3A_257] : memref<128x128xf32, #tpu.memory_space<vmem>>[vector<16xi32>, vector<16xi32>], vector<16xf32>,
    %swap3A_259 = arith.constant 1 : i32
    %swap3A_260 = arith.index_cast %swap3A_259 : i32 to index
    %swap3A_261 = arith.constant 16 : index
    %swap3A_262 = tpu.vector_load %arg8[%swap3A_260, %swap3A_261] {strides = array<i32>} : memref<16x128xf32, #tpu.memory_space<vmem>>, vector<16xf32>,
    tpu.vector_store %arg8[%swap3A_260, %swap3A_261], %gather3A_258 {strides = array<i32>} : memref<16x128xf32, #tpu.memory_space<vmem>>, vector<16xf32>,
    %add3A_263 = arith.constant 2 : i32
    %add3A_264 = vector.broadcast %add3A_263 : i32 to vector<16xi32>
    %add3A_265 = arith.addi %add3A_243, %add3A_264 : vector<16xi32>
    %gather3A_266 = tpu.vector_load_idx %arg7[%add3A_246, %add3A_265] : memref<128x128xf32, #tpu.memory_space<vmem>>[vector<16xi32>, vector<16xi32>], vector<16xf32>,
    %swap3A_267 = arith.constant 2 : i32
    %swap3A_268 = arith.index_cast %swap3A_267 : i32 to index
    %swap3A_269 = arith.constant 16 : index
    %swap3A_270 = tpu.vector_load %arg8[%swap3A_268, %swap3A_269] {strides = array<i32>} : memref<16x128xf32, #tpu.memory_space<vmem>>, vector<16xf32>,
    tpu.vector_store %arg8[%swap3A_268, %swap3A_269], %gather3A_266 {strides = array<i32>} : memref<16x128xf32, #tpu.memory_space<vmem>>, vector<16xf32>,
    %add3A_271 = arith.constant 3 : i32
    %add3A_272 = vector.broadcast %add3A_271 : i32 to vector<16xi32>
    %add3A_273 = arith.addi %add3A_243, %add3A_272 : vector<16xi32>
    %gather3A_274 = tpu.vector_load_idx %arg7[%add3A_246, %add3A_273] : memref<128x128xf32, #tpu.memory_space<vmem>>[vector<16xi32>, vector<16xi32>], vector<16xf32>,
    %swap3A_275 = arith.constant 3 : i32
    %swap3A_276 = arith.index_cast %swap3A_275 : i32 to index
    %swap3A_277 = arith.constant 16 : index
    %swap3A_278 = tpu.vector_load %arg8[%swap3A_276, %swap3A_277] {strides = array<i32>} : memref<16x128xf32, #tpu.memory_space<vmem>>, vector<16xf32>,
    tpu.vector_store %arg8[%swap3A_276, %swap3A_277], %gather3A_274 {strides = array<i32>} : memref<16x128xf32, #tpu.memory_space<vmem>>, vector<16xf32>,
    %add3A_279 = arith.constant 4 : i32
    %add3A_280 = vector.broadcast %add3A_279 : i32 to vector<16xi32>
    %add3A_281 = arith.addi %add3A_243, %add3A_280 : vector<16xi32>
    %gather3A_282 = tpu.vector_load_idx %arg7[%add3A_246, %add3A_281] : memref<128x128xf32, #tpu.memory_space<vmem>>[vector<16xi32>, vector<16xi32>], vector<16xf32>,
    %swap3A_283 = arith.constant 4 : i32
    %swap3A_284 = arith.index_cast %swap3A_283 : i32 to index
    %swap3A_285 = arith.constant 16 : index
    %swap3A_286 = tpu.vector_load %arg8[%swap3A_284, %swap3A_285] {strides = array<i32>} : memref<16x128xf32, #tpu.memory_space<vmem>>, vector<16xf32>,
    tpu.vector_store %arg8[%swap3A_284, %swap3A_285], %gather3A_282 {strides = array<i32>} : memref<16x128xf32, #tpu.memory_space<vmem>>, vector<16xf32>,
    %add3A_287 = arith.constant 5 : i32
    %add3A_288 = vector.broadcast %add3A_287 : i32 to vector<16xi32>
    %add3A_289 = arith.addi %add3A_243, %add3A_288 : vector<16xi32>
    %gather3A_290 = tpu.vector_load_idx %arg7[%add3A_246, %add3A_289] : memref<128x128xf32, #tpu.memory_space<vmem>>[vector<16xi32>, vector<16xi32>], vector<16xf32>,
    %swap3A_291 = arith.constant 5 : i32
    %swap3A_292 = arith.index_cast %swap3A_291 : i32 to index
    %swap3A_293 = arith.constant 16 : index
    %swap3A_294 = tpu.vector_load %arg8[%swap3A_292, %swap3A_293] {strides = array<i32>} : memref<16x128xf32, #tpu.memory_space<vmem>>, vector<16xf32>,
    tpu.vector_store %arg8[%swap3A_292, %swap3A_293], %gather3A_290 {strides = array<i32>} : memref<16x128xf32, #tpu.memory_space<vmem>>, vector<16xf32>,
    %add3A_295 = arith.constant 6 : i32
    %add3A_296 = vector.broadcast %add3A_295 : i32 to vector<16xi32>
    %add3A_297 = arith.addi %add3A_243, %add3A_296 : vector<16xi32>
    %gather3A_298 = tpu.vector_load_idx %arg7[%add3A_246, %add3A_297] : memref<128x128xf32, #tpu.memory_space<vmem>>[vector<16xi32>, vector<16xi32>], vector<16xf32>,
    %swap3A_299 = arith.constant 6 : i32
    %swap3A_300 = arith.index_cast %swap3A_299 : i32 to index
    %swap3A_301 = arith.constant 16 : index
    %swap3A_302 = tpu.vector_load %arg8[%swap3A_300, %swap3A_301] {strides = array<i32>} : memref<16x128xf32, #tpu.memory_space<vmem>>, vector<16xf32>,
    tpu.vector_store %arg8[%swap3A_300, %swap3A_301], %gather3A_298 {strides = array<i32>} : memref<16x128xf32, #tpu.memory_space<vmem>>, vector<16xf32>,
    %add3A_303 = arith.constant 7 : i32
    %add3A_304 = vector.broadcast %add3A_303 : i32 to vector<16xi32>
    %add3A_305 = arith.addi %add3A_243, %add3A_304 : vector<16xi32>
    %gather3A_306 = tpu.vector_load_idx %arg7[%add3A_246, %add3A_305] : memref<128x128xf32, #tpu.memory_space<vmem>>[vector<16xi32>, vector<16xi32>], vector<16xf32>,
    %swap3A_307 = arith.constant 7 : i32
    %swap3A_308 = arith.index_cast %swap3A_307 : i32 to index
    %swap3A_309 = arith.constant 16 : index
    %swap3A_310 = tpu.vector_load %arg8[%swap3A_308, %swap3A_309] {strides = array<i32>} : memref<16x128xf32, #tpu.memory_space<vmem>>, vector<16xf32>,
    tpu.vector_store %arg8[%swap3A_308, %swap3A_309], %gather3A_306 {strides = array<i32>} : memref<16x128xf32, #tpu.memory_space<vmem>>, vector<16xf32>,
    %add3A_311 = arith.constant 8 : i32
    %add3A_312 = vector.broadcast %add3A_311 : i32 to vector<16xi32>
    %add3A_313 = arith.addi %add3A_243, %add3A_312 : vector<16xi32>
    %gather3A_314 = tpu.vector_load_idx %arg7[%add3A_246, %add3A_313] : memref<128x128xf32, #tpu.memory_space<vmem>>[vector<16xi32>, vector<16xi32>], vector<16xf32>,
    %swap3A_315 = arith.constant 8 : i32
    %swap3A_316 = arith.index_cast %swap3A_315 : i32 to index
    %swap3A_317 = arith.constant 16 : index
    %swap3A_318 = tpu.vector_load %arg8[%swap3A_316, %swap3A_317] {strides = array<i32>} : memref<16x128xf32, #tpu.memory_space<vmem>>, vector<16xf32>,
    tpu.vector_store %arg8[%swap3A_316, %swap3A_317], %gather3A_314 {strides = array<i32>} : memref<16x128xf32, #tpu.memory_space<vmem>>, vector<16xf32>,
    %add3A_319 = arith.constant 9 : i32
    %add3A_320 = vector.broadcast %add3A_319 : i32 to vector<16xi32>
    %add3A_321 = arith.addi %add3A_243, %add3A_320 : vector<16xi32>
    %gather3A_322 = tpu.vector_load_idx %arg7[%add3A_246, %add3A_321] : memref<128x128xf32, #tpu.memory_space<vmem>>[vector<16xi32>, vector<16xi32>], vector<16xf32>,
    %swap3A_323 = arith.constant 9 : i32
    %swap3A_324 = arith.index_cast %swap3A_323 : i32 to index
    %swap3A_325 = arith.constant 16 : index
    %swap3A_326 = tpu.vector_load %arg8[%swap3A_324, %swap3A_325] {strides = array<i32>} : memref<16x128xf32, #tpu.memory_space<vmem>>, vector<16xf32>,
    tpu.vector_store %arg8[%swap3A_324, %swap3A_325], %gather3A_322 {strides = array<i32>} : memref<16x128xf32, #tpu.memory_space<vmem>>, vector<16xf32>,
    %add3A_327 = arith.constant 10 : i32
    %add3A_328 = vector.broadcast %add3A_327 : i32 to vector<16xi32>
    %add3A_329 = arith.addi %add3A_243, %add3A_328 : vector<16xi32>
    %gather3A_330 = tpu.vector_load_idx %arg7[%add3A_246, %add3A_329] : memref<128x128xf32, #tpu.memory_space<vmem>>[vector<16xi32>, vector<16xi32>], vector<16xf32>,
    %swap3A_331 = arith.constant 10 : i32
    %swap3A_332 = arith.index_cast %swap3A_331 : i32 to index
    %swap3A_333 = arith.constant 16 : index
    %swap3A_334 = tpu.vector_load %arg8[%swap3A_332, %swap3A_333] {strides = array<i32>} : memref<16x128xf32, #tpu.memory_space<vmem>>, vector<16xf32>,
    tpu.vector_store %arg8[%swap3A_332, %swap3A_333], %gather3A_330 {strides = array<i32>} : memref<16x128xf32, #tpu.memory_space<vmem>>, vector<16xf32>,
    %add3A_335 = arith.constant 11 : i32
    %add3A_336 = vector.broadcast %add3A_335 : i32 to vector<16xi32>
    %add3A_337 = arith.addi %add3A_243, %add3A_336 : vector<16xi32>
    %gather3A_338 = tpu.vector_load_idx %arg7[%add3A_246, %add3A_337] : memref<128x128xf32, #tpu.memory_space<vmem>>[vector<16xi32>, vector<16xi32>], vector<16xf32>,
    %swap3A_339 = arith.constant 11 : i32
    %swap3A_340 = arith.index_cast %swap3A_339 : i32 to index
    %swap3A_341 = arith.constant 16 : index
    %swap3A_342 = tpu.vector_load %arg8[%swap3A_340, %swap3A_341] {strides = array<i32>} : memref<16x128xf32, #tpu.memory_space<vmem>>, vector<16xf32>,
    tpu.vector_store %arg8[%swap3A_340, %swap3A_341], %gather3A_338 {strides = array<i32>} : memref<16x128xf32, #tpu.memory_space<vmem>>, vector<16xf32>,
    %add3A_343 = arith.constant 12 : i32
    %add3A_344 = vector.broadcast %add3A_343 : i32 to vector<16xi32>
    %add3A_345 = arith.addi %add3A_243, %add3A_344 : vector<16xi32>
    %gather3A_346 = tpu.vector_load_idx %arg7[%add3A_246, %add3A_345] : memref<128x128xf32, #tpu.memory_space<vmem>>[vector<16xi32>, vector<16xi32>], vector<16xf32>,
    %swap3A_347 = arith.constant 12 : i32
    %swap3A_348 = arith.index_cast %swap3A_347 : i32 to index
    %swap3A_349 = arith.constant 16 : index
    %swap3A_350 = tpu.vector_load %arg8[%swap3A_348, %swap3A_349] {strides = array<i32>} : memref<16x128xf32, #tpu.memory_space<vmem>>, vector<16xf32>,
    tpu.vector_store %arg8[%swap3A_348, %swap3A_349], %gather3A_346 {strides = array<i32>} : memref<16x128xf32, #tpu.memory_space<vmem>>, vector<16xf32>,
    %add3A_351 = arith.constant 13 : i32
    %add3A_352 = vector.broadcast %add3A_351 : i32 to vector<16xi32>
    %add3A_353 = arith.addi %add3A_243, %add3A_352 : vector<16xi32>
    %gather3A_354 = tpu.vector_load_idx %arg7[%add3A_246, %add3A_353] : memref<128x128xf32, #tpu.memory_space<vmem>>[vector<16xi32>, vector<16xi32>], vector<16xf32>,
    %swap3A_355 = arith.constant 13 : i32
    %swap3A_356 = arith.index_cast %swap3A_355 : i32 to index
    %swap3A_357 = arith.constant 16 : index
    %swap3A_358 = tpu.vector_load %arg8[%swap3A_356, %swap3A_357] {strides = array<i32>} : memref<16x128xf32, #tpu.memory_space<vmem>>, vector<16xf32>,
    tpu.vector_store %arg8[%swap3A_356, %swap3A_357], %gather3A_354 {strides = array<i32>} : memref<16x128xf32, #tpu.memory_space<vmem>>, vector<16xf32>,
    %add3A_359 = arith.constant 14 : i32
    %add3A_360 = vector.broadcast %add3A_359 : i32 to vector<16xi32>
    %add3A_361 = arith.addi %add3A_243, %add3A_360 : vector<16xi32>
    %gather3A_362 = tpu.vector_load_idx %arg7[%add3A_246, %add3A_361] : memref<128x128xf32, #tpu.memory_space<vmem>>[vector<16xi32>, vector<16xi32>], vector<16xf32>,
    %swap3A_363 = arith.constant 14 : i32
    %swap3A_364 = arith.index_cast %swap3A_363 : i32 to index
    %swap3A_365 = arith.constant 16 : index
    %swap3A_366 = tpu.vector_load %arg8[%swap3A_364, %swap3A_365] {strides = array<i32>} : memref<16x128xf32, #tpu.memory_space<vmem>>, vector<16xf32>,
    tpu.vector_store %arg8[%swap3A_364, %swap3A_365], %gather3A_362 {strides = array<i32>} : memref<16x128xf32, #tpu.memory_space<vmem>>, vector<16xf32>,
    %add3A_367 = arith.constant 15 : i32
    %add3A_368 = vector.broadcast %add3A_367 : i32 to vector<16xi32>
    %add3A_369 = arith.addi %add3A_243, %add3A_368 : vector<16xi32>
    %gather3A_370 = tpu.vector_load_idx %arg7[%add3A_246, %add3A_369] : memref<128x128xf32, #tpu.memory_space<vmem>>[vector<16xi32>, vector<16xi32>], vector<16xf32>,
    %swap3A_371 = arith.constant 15 : i32
    %swap3A_372 = arith.index_cast %swap3A_371 : i32 to index
    %swap3A_373 = arith.constant 16 : index
    %swap3A_374 = tpu.vector_load %arg8[%swap3A_372, %swap3A_373] {strides = array<i32>} : memref<16x128xf32, #tpu.memory_space<vmem>>, vector<16xf32>,
    tpu.vector_store %arg8[%swap3A_372, %swap3A_373], %gather3A_370 {strides = array<i32>} : memref<16x128xf32, #tpu.memory_space<vmem>>, vector<16xf32>,
    %get3A_375 = arith.constant 32 : index
    %get3A_376 = tpu.vector_load %arg5[%get3A_375] {strides = array<i32>} : memref<128xi32, #tpu.memory_space<vmem>>, vector<16xi32>,
    %and3A_377 = arith.constant 1 : i32
    %and3A_378 = vector.broadcast %and3A_377 : i32 to vector<16xi32>
    %and3A_379 = arith.andi %get3A_376, %and3A_378 : vector<16xi32>
    %mul3A_380 = arith.constant 64 : i32
    %mul3A_381 = vector.broadcast %mul3A_380 : i32 to vector<16xi32>
    %mul3A_382 = arith.muli %and3A_379, %mul3A_381 : vector<16xi32>
    %mul3A_383 = arith.constant 16 : i32
    %mul3A_384 = arith.muli %select_n3A_30, %mul3A_383 : i32
    %add3A_385 = vector.broadcast %mul3A_384 : i32 to vector<16xi32>
    %add3A_386 = arith.addi %mul3A_382, %add3A_385 : vector<16xi32>
    %add3A_387 = arith.constant 32 : i32
    %add3A_388 = vector.broadcast %add3A_387 : i32 to vector<16xi32>
    %add3A_389 = arith.addi %iota3A, %add3A_388 : vector<16xi32>
    %add3A_390 = arith.constant 0 : i32
    %add3A_391 = vector.broadcast %add3A_390 : i32 to vector<16xi32>
    %add3A_392 = arith.addi %add3A_386, %add3A_391 : vector<16xi32>
    %gather3A_393 = tpu.vector_load_idx %arg7[%add3A_389, %add3A_392] : memref<128x128xf32, #tpu.memory_space<vmem>>[vector<16xi32>, vector<16xi32>], vector<16xf32>,
    %swap3A_394 = arith.constant 0 : i32
    %swap3A_395 = arith.index_cast %swap3A_394 : i32 to index
    %swap3A_396 = arith.constant 32 : index
    %swap3A_397 = tpu.vector_load %arg8[%swap3A_395, %swap3A_396] {strides = array<i32>} : memref<16x128xf32, #tpu.memory_space<vmem>>, vector<16xf32>,
    tpu.vector_store %arg8[%swap3A_395, %swap3A_396], %gather3A_393 {strides = array<i32>} : memref<16x128xf32, #tpu.memory_space<vmem>>, vector<16xf32>,
    %add3A_398 = arith.constant 1 : i32
    %add3A_399 = vector.broadcast %add3A_398 : i32 to vector<16xi32>
    %add3A_400 = arith.addi %add3A_386, %add3A_399 : vector<16xi32>
    %gather3A_401 = tpu.vector_load_idx %arg7[%add3A_389, %add3A_400] : memref<128x128xf32, #tpu.memory_space<vmem>>[vector<16xi32>, vector<16xi32>], vector<16xf32>,
    %swap3A_402 = arith.constant 1 : i32
    %swap3A_403 = arith.index_cast %swap3A_402 : i32 to index
    %swap3A_404 = arith.constant 32 : index
    %swap3A_405 = tpu.vector_load %arg8[%swap3A_403, %swap3A_404] {strides = array<i32>} : memref<16x128xf32, #tpu.memory_space<vmem>>, vector<16xf32>,
    tpu.vector_store %arg8[%swap3A_403, %swap3A_404], %gather3A_401 {strides = array<i32>} : memref<16x128xf32, #tpu.memory_space<vmem>>, vector<16xf32>,
    %add3A_406 = arith.constant 2 : i32
    %add3A_407 = vector.broadcast %add3A_406 : i32 to vector<16xi32>
    %add3A_408 = arith.addi %add3A_386, %add3A_407 : vector<16xi32>
    %gather3A_409 = tpu.vector_load_idx %arg7[%add3A_389, %add3A_408] : memref<128x128xf32, #tpu.memory_space<vmem>>[vector<16xi32>, vector<16xi32>], vector<16xf32>,
    %swap3A_410 = arith.constant 2 : i32
    %swap3A_411 = arith.index_cast %swap3A_410 : i32 to index
    %swap3A_412 = arith.constant 32 : index
    %swap3A_413 = tpu.vector_load %arg8[%swap3A_411, %swap3A_412] {strides = array<i32>} : memref<16x128xf32, #tpu.memory_space<vmem>>, vector<16xf32>,
    tpu.vector_store %arg8[%swap3A_411, %swap3A_412], %gather3A_409 {strides = array<i32>} : memref<16x128xf32, #tpu.memory_space<vmem>>, vector<16xf32>,
    %add3A_414 = arith.constant 3 : i32
    %add3A_415 = vector.broadcast %add3A_414 : i32 to vector<16xi32>
    %add3A_416 = arith.addi %add3A_386, %add3A_415 : vector<16xi32>
    %gather3A_417 = tpu.vector_load_idx %arg7[%add3A_389, %add3A_416] : memref<128x128xf32, #tpu.memory_space<vmem>>[vector<16xi32>, vector<16xi32>], vector<16xf32>,
    %swap3A_418 = arith.constant 3 : i32
    %swap3A_419 = arith.index_cast %swap3A_418 : i32 to index
    %swap3A_420 = arith.constant 32 : index
    %swap3A_421 = tpu.vector_load %arg8[%swap3A_419, %swap3A_420] {strides = array<i32>} : memref<16x128xf32, #tpu.memory_space<vmem>>, vector<16xf32>,
    tpu.vector_store %arg8[%swap3A_419, %swap3A_420], %gather3A_417 {strides = array<i32>} : memref<16x128xf32, #tpu.memory_space<vmem>>, vector<16xf32>,
    %add3A_422 = arith.constant 4 : i32
    %add3A_423 = vector.broadcast %add3A_422 : i32 to vector<16xi32>
    %add3A_424 = arith.addi %add3A_386, %add3A_423 : vector<16xi32>
    %gather3A_425 = tpu.vector_load_idx %arg7[%add3A_389, %add3A_424] : memref<128x128xf32, #tpu.memory_space<vmem>>[vector<16xi32>, vector<16xi32>], vector<16xf32>,
    %swap3A_426 = arith.constant 4 : i32
    %swap3A_427 = arith.index_cast %swap3A_426 : i32 to index
    %swap3A_428 = arith.constant 32 : index
    %swap3A_429 = tpu.vector_load %arg8[%swap3A_427, %swap3A_428] {strides = array<i32>} : memref<16x128xf32, #tpu.memory_space<vmem>>, vector<16xf32>,
    tpu.vector_store %arg8[%swap3A_427, %swap3A_428], %gather3A_425 {strides = array<i32>} : memref<16x128xf32, #tpu.memory_space<vmem>>, vector<16xf32>,
    %add3A_430 = arith.constant 5 : i32
    %add3A_431 = vector.broadcast %add3A_430 : i32 to vector<16xi32>
    %add3A_432 = arith.addi %add3A_386, %add3A_431 : vector<16xi32>
    %gather3A_433 = tpu.vector_load_idx %arg7[%add3A_389, %add3A_432] : memref<128x128xf32, #tpu.memory_space<vmem>>[vector<16xi32>, vector<16xi32>], vector<16xf32>,
    %swap3A_434 = arith.constant 5 : i32
    %swap3A_435 = arith.index_cast %swap3A_434 : i32 to index
    %swap3A_436 = arith.constant 32 : index
    %swap3A_437 = tpu.vector_load %arg8[%swap3A_435, %swap3A_436] {strides = array<i32>} : memref<16x128xf32, #tpu.memory_space<vmem>>, vector<16xf32>,
    tpu.vector_store %arg8[%swap3A_435, %swap3A_436], %gather3A_433 {strides = array<i32>} : memref<16x128xf32, #tpu.memory_space<vmem>>, vector<16xf32>,
    %add3A_438 = arith.constant 6 : i32
    %add3A_439 = vector.broadcast %add3A_438 : i32 to vector<16xi32>
    %add3A_440 = arith.addi %add3A_386, %add3A_439 : vector<16xi32>
    %gather3A_441 = tpu.vector_load_idx %arg7[%add3A_389, %add3A_440] : memref<128x128xf32, #tpu.memory_space<vmem>>[vector<16xi32>, vector<16xi32>], vector<16xf32>,
    %swap3A_442 = arith.constant 6 : i32
    %swap3A_443 = arith.index_cast %swap3A_442 : i32 to index
    %swap3A_444 = arith.constant 32 : index
    %swap3A_445 = tpu.vector_load %arg8[%swap3A_443, %swap3A_444] {strides = array<i32>} : memref<16x128xf32, #tpu.memory_space<vmem>>, vector<16xf32>,
    tpu.vector_store %arg8[%swap3A_443, %swap3A_444], %gather3A_441 {strides = array<i32>} : memref<16x128xf32, #tpu.memory_space<vmem>>, vector<16xf32>,
    %add3A_446 = arith.constant 7 : i32
    %add3A_447 = vector.broadcast %add3A_446 : i32 to vector<16xi32>
    %add3A_448 = arith.addi %add3A_386, %add3A_447 : vector<16xi32>
    %gather3A_449 = tpu.vector_load_idx %arg7[%add3A_389, %add3A_448] : memref<128x128xf32, #tpu.memory_space<vmem>>[vector<16xi32>, vector<16xi32>], vector<16xf32>,
    %swap3A_450 = arith.constant 7 : i32
    %swap3A_451 = arith.index_cast %swap3A_450 : i32 to index
    %swap3A_452 = arith.constant 32 : index
    %swap3A_453 = tpu.vector_load %arg8[%swap3A_451, %swap3A_452] {strides = array<i32>} : memref<16x128xf32, #tpu.memory_space<vmem>>, vector<16xf32>,
    tpu.vector_store %arg8[%swap3A_451, %swap3A_452], %gather3A_449 {strides = array<i32>} : memref<16x128xf32, #tpu.memory_space<vmem>>, vector<16xf32>,
    %add3A_454 = arith.constant 8 : i32
    %add3A_455 = vector.broadcast %add3A_454 : i32 to vector<16xi32>
    %add3A_456 = arith.addi %add3A_386, %add3A_455 : vector<16xi32>
    %gather3A_457 = tpu.vector_load_idx %arg7[%add3A_389, %add3A_456] : memref<128x128xf32, #tpu.memory_space<vmem>>[vector<16xi32>, vector<16xi32>], vector<16xf32>,
    %swap3A_458 = arith.constant 8 : i32
    %swap3A_459 = arith.index_cast %swap3A_458 : i32 to index
    %swap3A_460 = arith.constant 32 : index
    %swap3A_461 = tpu.vector_load %arg8[%swap3A_459, %swap3A_460] {strides = array<i32>} : memref<16x128xf32, #tpu.memory_space<vmem>>, vector<16xf32>,
    tpu.vector_store %arg8[%swap3A_459, %swap3A_460], %gather3A_457 {strides = array<i32>} : memref<16x128xf32, #tpu.memory_space<vmem>>, vector<16xf32>,
    %add3A_462 = arith.constant 9 : i32
    %add3A_463 = vector.broadcast %add3A_462 : i32 to vector<16xi32>
    %add3A_464 = arith.addi %add3A_386, %add3A_463 : vector<16xi32>
    %gather3A_465 = tpu.vector_load_idx %arg7[%add3A_389, %add3A_464] : memref<128x128xf32, #tpu.memory_space<vmem>>[vector<16xi32>, vector<16xi32>], vector<16xf32>,
    %swap3A_466 = arith.constant 9 : i32
    %swap3A_467 = arith.index_cast %swap3A_466 : i32 to index
    %swap3A_468 = arith.constant 32 : index
    %swap3A_469 = tpu.vector_load %arg8[%swap3A_467, %swap3A_468] {strides = array<i32>} : memref<16x128xf32, #tpu.memory_space<vmem>>, vector<16xf32>,
    tpu.vector_store %arg8[%swap3A_467, %swap3A_468], %gather3A_465 {strides = array<i32>} : memref<16x128xf32, #tpu.memory_space<vmem>>, vector<16xf32>,
    %add3A_470 = arith.constant 10 : i32
    %add3A_471 = vector.broadcast %add3A_470 : i32 to vector<16xi32>
    %add3A_472 = arith.addi %add3A_386, %add3A_471 : vector<16xi32>
    %gather3A_473 = tpu.vector_load_idx %arg7[%add3A_389, %add3A_472] : memref<128x128xf32, #tpu.memory_space<vmem>>[vector<16xi32>, vector<16xi32>], vector<16xf32>,
    %swap3A_474 = arith.constant 10 : i32
    %swap3A_475 = arith.index_cast %swap3A_474 : i32 to index
    %swap3A_476 = arith.constant 32 : index
    %swap3A_477 = tpu.vector_load %arg8[%swap3A_475, %swap3A_476] {strides = array<i32>} : memref<16x128xf32, #tpu.memory_space<vmem>>, vector<16xf32>,
    tpu.vector_store %arg8[%swap3A_475, %swap3A_476], %gather3A_473 {strides = array<i32>} : memref<16x128xf32, #tpu.memory_space<vmem>>, vector<16xf32>,
    %add3A_478 = arith.constant 11 : i32
    %add3A_479 = vector.broadcast %add3A_478 : i32 to vector<16xi32>
    %add3A_480 = arith.addi %add3A_386, %add3A_479 : vector<16xi32>
    %gather3A_481 = tpu.vector_load_idx %arg7[%add3A_389, %add3A_480] : memref<128x128xf32, #tpu.memory_space<vmem>>[vector<16xi32>, vector<16xi32>], vector<16xf32>,
    %swap3A_482 = arith.constant 11 : i32
    %swap3A_483 = arith.index_cast %swap3A_482 : i32 to index
    %swap3A_484 = arith.constant 32 : index
    %swap3A_485 = tpu.vector_load %arg8[%swap3A_483, %swap3A_484] {strides = array<i32>} : memref<16x128xf32, #tpu.memory_space<vmem>>, vector<16xf32>,
    tpu.vector_store %arg8[%swap3A_483, %swap3A_484], %gather3A_481 {strides = array<i32>} : memref<16x128xf32, #tpu.memory_space<vmem>>, vector<16xf32>,
    %add3A_486 = arith.constant 12 : i32
    %add3A_487 = vector.broadcast %add3A_486 : i32 to vector<16xi32>
    %add3A_488 = arith.addi %add3A_386, %add3A_487 : vector<16xi32>
    %gather3A_489 = tpu.vector_load_idx %arg7[%add3A_389, %add3A_488] : memref<128x128xf32, #tpu.memory_space<vmem>>[vector<16xi32>, vector<16xi32>], vector<16xf32>,
    %swap3A_490 = arith.constant 12 : i32
    %swap3A_491 = arith.index_cast %swap3A_490 : i32 to index
    %swap3A_492 = arith.constant 32 : index
    %swap3A_493 = tpu.vector_load %arg8[%swap3A_491, %swap3A_492] {strides = array<i32>} : memref<16x128xf32, #tpu.memory_space<vmem>>, vector<16xf32>,
    tpu.vector_store %arg8[%swap3A_491, %swap3A_492], %gather3A_489 {strides = array<i32>} : memref<16x128xf32, #tpu.memory_space<vmem>>, vector<16xf32>,
    %add3A_494 = arith.constant 13 : i32
    %add3A_495 = vector.broadcast %add3A_494 : i32 to vector<16xi32>
    %add3A_496 = arith.addi %add3A_386, %add3A_495 : vector<16xi32>
    %gather3A_497 = tpu.vector_load_idx %arg7[%add3A_389, %add3A_496] : memref<128x128xf32, #tpu.memory_space<vmem>>[vector<16xi32>, vector<16xi32>], vector<16xf32>,
    %swap3A_498 = arith.constant 13 : i32
    %swap3A_499 = arith.index_cast %swap3A_498 : i32 to index
    %swap3A_500 = arith.constant 32 : index
    %swap3A_501 = tpu.vector_load %arg8[%swap3A_499, %swap3A_500] {strides = array<i32>} : memref<16x128xf32, #tpu.memory_space<vmem>>, vector<16xf32>,
    tpu.vector_store %arg8[%swap3A_499, %swap3A_500], %gather3A_497 {strides = array<i32>} : memref<16x128xf32, #tpu.memory_space<vmem>>, vector<16xf32>,
    %add3A_502 = arith.constant 14 : i32
    %add3A_503 = vector.broadcast %add3A_502 : i32 to vector<16xi32>
    %add3A_504 = arith.addi %add3A_386, %add3A_503 : vector<16xi32>
    %gather3A_505 = tpu.vector_load_idx %arg7[%add3A_389, %add3A_504] : memref<128x128xf32, #tpu.memory_space<vmem>>[vector<16xi32>, vector<16xi32>], vector<16xf32>,
    %swap3A_506 = arith.constant 14 : i32
    %swap3A_507 = arith.index_cast %swap3A_506 : i32 to index
    %swap3A_508 = arith.constant 32 : index
    %swap3A_509 = tpu.vector_load %arg8[%swap3A_507, %swap3A_508] {strides = array<i32>} : memref<16x128xf32, #tpu.memory_space<vmem>>, vector<16xf32>,
    tpu.vector_store %arg8[%swap3A_507, %swap3A_508], %gather3A_505 {strides = array<i32>} : memref<16x128xf32, #tpu.memory_space<vmem>>, vector<16xf32>,
    %add3A_510 = arith.constant 15 : i32
    %add3A_511 = vector.broadcast %add3A_510 : i32 to vector<16xi32>
    %add3A_512 = arith.addi %add3A_386, %add3A_511 : vector<16xi32>
    %gather3A_513 = tpu.vector_load_idx %arg7[%add3A_389, %add3A_512] : memref<128x128xf32, #tpu.memory_space<vmem>>[vector<16xi32>, vector<16xi32>], vector<16xf32>,
    %swap3A_514 = arith.constant 15 : i32
    %swap3A_515 = arith.index_cast %swap3A_514 : i32 to index
    %swap3A_516 = arith.constant 32 : index
    %swap3A_517 = tpu.vector_load %arg8[%swap3A_515, %swap3A_516] {strides = array<i32>} : memref<16x128xf32, #tpu.memory_space<vmem>>, vector<16xf32>,
    tpu.vector_store %arg8[%swap3A_515, %swap3A_516], %gather3A_513 {strides = array<i32>} : memref<16x128xf32, #tpu.memory_space<vmem>>, vector<16xf32>,
    %get3A_518 = arith.constant 48 : index
    %get3A_519 = tpu.vector_load %arg5[%get3A_518] {strides = array<i32>} : memref<128xi32, #tpu.memory_space<vmem>>, vector<16xi32>,
    %and3A_520 = arith.constant 1 : i32
    %and3A_521 = vector.broadcast %and3A_520 : i32 to vector<16xi32>
    %and3A_522 = arith.andi %get3A_519, %and3A_521 : vector<16xi32>
    %mul3A_523 = arith.constant 64 : i32
    %mul3A_524 = vector.broadcast %mul3A_523 : i32 to vector<16xi32>
    %mul3A_525 = arith.muli %and3A_522, %mul3A_524 : vector<16xi32>
    %mul3A_526 = arith.constant 16 : i32
    %mul3A_527 = arith.muli %select_n3A_30, %mul3A_526 : i32
    %add3A_528 = vector.broadcast %mul3A_527 : i32 to vector<16xi32>
    %add3A_529 = arith.addi %mul3A_525, %add3A_528 : vector<16xi32>
    %add3A_530 = arith.constant 48 : i32
    %add3A_531 = vector.broadcast %add3A_530 : i32 to vector<16xi32>
    %add3A_532 = arith.addi %iota3A, %add3A_531 : vector<16xi32>
    %add3A_533 = arith.constant 0 : i32
    %add3A_534 = vector.broadcast %add3A_533 : i32 to vector<16xi32>
    %add3A_535 = arith.addi %add3A_529, %add3A_534 : vector<16xi32>
    %gather3A_536 = tpu.vector_load_idx %arg7[%add3A_532, %add3A_535] : memref<128x128xf32, #tpu.memory_space<vmem>>[vector<16xi32>, vector<16xi32>], vector<16xf32>,
    %swap3A_537 = arith.constant 0 : i32
    %swap3A_538 = arith.index_cast %swap3A_537 : i32 to index
    %swap3A_539 = arith.constant 48 : index
    %swap3A_540 = tpu.vector_load %arg8[%swap3A_538, %swap3A_539] {strides = array<i32>} : memref<16x128xf32, #tpu.memory_space<vmem>>, vector<16xf32>,
    tpu.vector_store %arg8[%swap3A_538, %swap3A_539], %gather3A_536 {strides = array<i32>} : memref<16x128xf32, #tpu.memory_space<vmem>>, vector<16xf32>,
    %add3A_541 = arith.constant 1 : i32
    %add3A_542 = vector.broadcast %add3A_541 : i32 to vector<16xi32>
    %add3A_543 = arith.addi %add3A_529, %add3A_542 : vector<16xi32>
    %gather3A_544 = tpu.vector_load_idx %arg7[%add3A_532, %add3A_543] : memref<128x128xf32, #tpu.memory_space<vmem>>[vector<16xi32>, vector<16xi32>], vector<16xf32>,
    %swap3A_545 = arith.constant 1 : i32
    %swap3A_546 = arith.index_cast %swap3A_545 : i32 to index
    %swap3A_547 = arith.constant 48 : index
    %swap3A_548 = tpu.vector_load %arg8[%swap3A_546, %swap3A_547] {strides = array<i32>} : memref<16x128xf32, #tpu.memory_space<vmem>>, vector<16xf32>,
    tpu.vector_store %arg8[%swap3A_546, %swap3A_547], %gather3A_544 {strides = array<i32>} : memref<16x128xf32, #tpu.memory_space<vmem>>, vector<16xf32>,
    %add3A_549 = arith.constant 2 : i32
    %add3A_550 = vector.broadcast %add3A_549 : i32 to vector<16xi32>
    %add3A_551 = arith.addi %add3A_529, %add3A_550 : vector<16xi32>
    %gather3A_552 = tpu.vector_load_idx %arg7[%add3A_532, %add3A_551] : memref<128x128xf32, #tpu.memory_space<vmem>>[vector<16xi32>, vector<16xi32>], vector<16xf32>,
    %swap3A_553 = arith.constant 2 : i32
    %swap3A_554 = arith.index_cast %swap3A_553 : i32 to index
    %swap3A_555 = arith.constant 48 : index
    %swap3A_556 = tpu.vector_load %arg8[%swap3A_554, %swap3A_555] {strides = array<i32>} : memref<16x128xf32, #tpu.memory_space<vmem>>, vector<16xf32>,
    tpu.vector_store %arg8[%swap3A_554, %swap3A_555], %gather3A_552 {strides = array<i32>} : memref<16x128xf32, #tpu.memory_space<vmem>>, vector<16xf32>,
    %add3A_557 = arith.constant 3 : i32
    %add3A_558 = vector.broadcast %add3A_557 : i32 to vector<16xi32>
    %add3A_559 = arith.addi %add3A_529, %add3A_558 : vector<16xi32>
    %gather3A_560 = tpu.vector_load_idx %arg7[%add3A_532, %add3A_559] : memref<128x128xf32, #tpu.memory_space<vmem>>[vector<16xi32>, vector<16xi32>], vector<16xf32>,
    %swap3A_561 = arith.constant 3 : i32
    %swap3A_562 = arith.index_cast %swap3A_561 : i32 to index
    %swap3A_563 = arith.constant 48 : index
    %swap3A_564 = tpu.vector_load %arg8[%swap3A_562, %swap3A_563] {strides = array<i32>} : memref<16x128xf32, #tpu.memory_space<vmem>>, vector<16xf32>,
    tpu.vector_store %arg8[%swap3A_562, %swap3A_563], %gather3A_560 {strides = array<i32>} : memref<16x128xf32, #tpu.memory_space<vmem>>, vector<16xf32>,
    %add3A_565 = arith.constant 4 : i32
    %add3A_566 = vector.broadcast %add3A_565 : i32 to vector<16xi32>
    %add3A_567 = arith.addi %add3A_529, %add3A_566 : vector<16xi32>
    %gather3A_568 = tpu.vector_load_idx %arg7[%add3A_532, %add3A_567] : memref<128x128xf32, #tpu.memory_space<vmem>>[vector<16xi32>, vector<16xi32>], vector<16xf32>,
    %swap3A_569 = arith.constant 4 : i32
    %swap3A_570 = arith.index_cast %swap3A_569 : i32 to index
    %swap3A_571 = arith.constant 48 : index
    %swap3A_572 = tpu.vector_load %arg8[%swap3A_570, %swap3A_571] {strides = array<i32>} : memref<16x128xf32, #tpu.memory_space<vmem>>, vector<16xf32>,
    tpu.vector_store %arg8[%swap3A_570, %swap3A_571], %gather3A_568 {strides = array<i32>} : memref<16x128xf32, #tpu.memory_space<vmem>>, vector<16xf32>,
    %add3A_573 = arith.constant 5 : i32
    %add3A_574 = vector.broadcast %add3A_573 : i32 to vector<16xi32>
    %add3A_575 = arith.addi %add3A_529, %add3A_574 : vector<16xi32>
    %gather3A_576 = tpu.vector_load_idx %arg7[%add3A_532, %add3A_575] : memref<128x128xf32, #tpu.memory_space<vmem>>[vector<16xi32>, vector<16xi32>], vector<16xf32>,
    %swap3A_577 = arith.constant 5 : i32
    %swap3A_578 = arith.index_cast %swap3A_577 : i32 to index
    %swap3A_579 = arith.constant 48 : index
    %swap3A_580 = tpu.vector_load %arg8[%swap3A_578, %swap3A_579] {strides = array<i32>} : memref<16x128xf32, #tpu.memory_space<vmem>>, vector<16xf32>,
    tpu.vector_store %arg8[%swap3A_578, %swap3A_579], %gather3A_576 {strides = array<i32>} : memref<16x128xf32, #tpu.memory_space<vmem>>, vector<16xf32>,
    %add3A_581 = arith.constant 6 : i32
    %add3A_582 = vector.broadcast %add3A_581 : i32 to vector<16xi32>
    %add3A_583 = arith.addi %add3A_529, %add3A_582 : vector<16xi32>
    %gather3A_584 = tpu.vector_load_idx %arg7[%add3A_532, %add3A_583] : memref<128x128xf32, #tpu.memory_space<vmem>>[vector<16xi32>, vector<16xi32>], vector<16xf32>,
    %swap3A_585 = arith.constant 6 : i32
    %swap3A_586 = arith.index_cast %swap3A_585 : i32 to index
    %swap3A_587 = arith.constant 48 : index
    %swap3A_588 = tpu.vector_load %arg8[%swap3A_586, %swap3A_587] {strides = array<i32>} : memref<16x128xf32, #tpu.memory_space<vmem>>, vector<16xf32>,
    tpu.vector_store %arg8[%swap3A_586, %swap3A_587], %gather3A_584 {strides = array<i32>} : memref<16x128xf32, #tpu.memory_space<vmem>>, vector<16xf32>,
    %add3A_589 = arith.constant 7 : i32
    %add3A_590 = vector.broadcast %add3A_589 : i32 to vector<16xi32>
    %add3A_591 = arith.addi %add3A_529, %add3A_590 : vector<16xi32>
    %gather3A_592 = tpu.vector_load_idx %arg7[%add3A_532, %add3A_591] : memref<128x128xf32, #tpu.memory_space<vmem>>[vector<16xi32>, vector<16xi32>], vector<16xf32>,
    %swap3A_593 = arith.constant 7 : i32
    %swap3A_594 = arith.index_cast %swap3A_593 : i32 to index
    %swap3A_595 = arith.constant 48 : index
    %swap3A_596 = tpu.vector_load %arg8[%swap3A_594, %swap3A_595] {strides = array<i32>} : memref<16x128xf32, #tpu.memory_space<vmem>>, vector<16xf32>,
    tpu.vector_store %arg8[%swap3A_594, %swap3A_595], %gather3A_592 {strides = array<i32>} : memref<16x128xf32, #tpu.memory_space<vmem>>, vector<16xf32>,
    %add3A_597 = arith.constant 8 : i32
    %add3A_598 = vector.broadcast %add3A_597 : i32 to vector<16xi32>
    %add3A_599 = arith.addi %add3A_529, %add3A_598 : vector<16xi32>
    %gather3A_600 = tpu.vector_load_idx %arg7[%add3A_532, %add3A_599] : memref<128x128xf32, #tpu.memory_space<vmem>>[vector<16xi32>, vector<16xi32>], vector<16xf32>,
    %swap3A_601 = arith.constant 8 : i32
    %swap3A_602 = arith.index_cast %swap3A_601 : i32 to index
    %swap3A_603 = arith.constant 48 : index
    %swap3A_604 = tpu.vector_load %arg8[%swap3A_602, %swap3A_603] {strides = array<i32>} : memref<16x128xf32, #tpu.memory_space<vmem>>, vector<16xf32>,
    tpu.vector_store %arg8[%swap3A_602, %swap3A_603], %gather3A_600 {strides = array<i32>} : memref<16x128xf32, #tpu.memory_space<vmem>>, vector<16xf32>,
    %add3A_605 = arith.constant 9 : i32
    %add3A_606 = vector.broadcast %add3A_605 : i32 to vector<16xi32>
    %add3A_607 = arith.addi %add3A_529, %add3A_606 : vector<16xi32>
    %gather3A_608 = tpu.vector_load_idx %arg7[%add3A_532, %add3A_607] : memref<128x128xf32, #tpu.memory_space<vmem>>[vector<16xi32>, vector<16xi32>], vector<16xf32>,
    %swap3A_609 = arith.constant 9 : i32
    %swap3A_610 = arith.index_cast %swap3A_609 : i32 to index
    %swap3A_611 = arith.constant 48 : index
    %swap3A_612 = tpu.vector_load %arg8[%swap3A_610, %swap3A_611] {strides = array<i32>} : memref<16x128xf32, #tpu.memory_space<vmem>>, vector<16xf32>,
    tpu.vector_store %arg8[%swap3A_610, %swap3A_611], %gather3A_608 {strides = array<i32>} : memref<16x128xf32, #tpu.memory_space<vmem>>, vector<16xf32>,
    %add3A_613 = arith.constant 10 : i32
    %add3A_614 = vector.broadcast %add3A_613 : i32 to vector<16xi32>
    %add3A_615 = arith.addi %add3A_529, %add3A_614 : vector<16xi32>
    %gather3A_616 = tpu.vector_load_idx %arg7[%add3A_532, %add3A_615] : memref<128x128xf32, #tpu.memory_space<vmem>>[vector<16xi32>, vector<16xi32>], vector<16xf32>,
    %swap3A_617 = arith.constant 10 : i32
    %swap3A_618 = arith.index_cast %swap3A_617 : i32 to index
    %swap3A_619 = arith.constant 48 : index
    %swap3A_620 = tpu.vector_load %arg8[%swap3A_618, %swap3A_619] {strides = array<i32>} : memref<16x128xf32, #tpu.memory_space<vmem>>, vector<16xf32>,
    tpu.vector_store %arg8[%swap3A_618, %swap3A_619], %gather3A_616 {strides = array<i32>} : memref<16x128xf32, #tpu.memory_space<vmem>>, vector<16xf32>,
    %add3A_621 = arith.constant 11 : i32
    %add3A_622 = vector.broadcast %add3A_621 : i32 to vector<16xi32>
    %add3A_623 = arith.addi %add3A_529, %add3A_622 : vector<16xi32>
    %gather3A_624 = tpu.vector_load_idx %arg7[%add3A_532, %add3A_623] : memref<128x128xf32, #tpu.memory_space<vmem>>[vector<16xi32>, vector<16xi32>], vector<16xf32>,
    %swap3A_625 = arith.constant 11 : i32
    %swap3A_626 = arith.index_cast %swap3A_625 : i32 to index
    %swap3A_627 = arith.constant 48 : index
    %swap3A_628 = tpu.vector_load %arg8[%swap3A_626, %swap3A_627] {strides = array<i32>} : memref<16x128xf32, #tpu.memory_space<vmem>>, vector<16xf32>,
    tpu.vector_store %arg8[%swap3A_626, %swap3A_627], %gather3A_624 {strides = array<i32>} : memref<16x128xf32, #tpu.memory_space<vmem>>, vector<16xf32>,
    %add3A_629 = arith.constant 12 : i32
    %add3A_630 = vector.broadcast %add3A_629 : i32 to vector<16xi32>
    %add3A_631 = arith.addi %add3A_529, %add3A_630 : vector<16xi32>
    %gather3A_632 = tpu.vector_load_idx %arg7[%add3A_532, %add3A_631] : memref<128x128xf32, #tpu.memory_space<vmem>>[vector<16xi32>, vector<16xi32>], vector<16xf32>,
    %swap3A_633 = arith.constant 12 : i32
    %swap3A_634 = arith.index_cast %swap3A_633 : i32 to index
    %swap3A_635 = arith.constant 48 : index
    %swap3A_636 = tpu.vector_load %arg8[%swap3A_634, %swap3A_635] {strides = array<i32>} : memref<16x128xf32, #tpu.memory_space<vmem>>, vector<16xf32>,
    tpu.vector_store %arg8[%swap3A_634, %swap3A_635], %gather3A_632 {strides = array<i32>} : memref<16x128xf32, #tpu.memory_space<vmem>>, vector<16xf32>,
    %add3A_637 = arith.constant 13 : i32
    %add3A_638 = vector.broadcast %add3A_637 : i32 to vector<16xi32>
    %add3A_639 = arith.addi %add3A_529, %add3A_638 : vector<16xi32>
    %gather3A_640 = tpu.vector_load_idx %arg7[%add3A_532, %add3A_639] : memref<128x128xf32, #tpu.memory_space<vmem>>[vector<16xi32>, vector<16xi32>], vector<16xf32>,
    %swap3A_641 = arith.constant 13 : i32
    %swap3A_642 = arith.index_cast %swap3A_641 : i32 to index
    %swap3A_643 = arith.constant 48 : index
    %swap3A_644 = tpu.vector_load %arg8[%swap3A_642, %swap3A_643] {strides = array<i32>} : memref<16x128xf32, #tpu.memory_space<vmem>>, vector<16xf32>,
    tpu.vector_store %arg8[%swap3A_642, %swap3A_643], %gather3A_640 {strides = array<i32>} : memref<16x128xf32, #tpu.memory_space<vmem>>, vector<16xf32>,
    %add3A_645 = arith.constant 14 : i32
    %add3A_646 = vector.broadcast %add3A_645 : i32 to vector<16xi32>
    %add3A_647 = arith.addi %add3A_529, %add3A_646 : vector<16xi32>
    %gather3A_648 = tpu.vector_load_idx %arg7[%add3A_532, %add3A_647] : memref<128x128xf32, #tpu.memory_space<vmem>>[vector<16xi32>, vector<16xi32>], vector<16xf32>,
    %swap3A_649 = arith.constant 14 : i32
    %swap3A_650 = arith.index_cast %swap3A_649 : i32 to index
    %swap3A_651 = arith.constant 48 : index
    %swap3A_652 = tpu.vector_load %arg8[%swap3A_650, %swap3A_651] {strides = array<i32>} : memref<16x128xf32, #tpu.memory_space<vmem>>, vector<16xf32>,
    tpu.vector_store %arg8[%swap3A_650, %swap3A_651], %gather3A_648 {strides = array<i32>} : memref<16x128xf32, #tpu.memory_space<vmem>>, vector<16xf32>,
    %add3A_653 = arith.constant 15 : i32
    %add3A_654 = vector.broadcast %add3A_653 : i32 to vector<16xi32>
    %add3A_655 = arith.addi %add3A_529, %add3A_654 : vector<16xi32>
    %gather3A_656 = tpu.vector_load_idx %arg7[%add3A_532, %add3A_655] : memref<128x128xf32, #tpu.memory_space<vmem>>[vector<16xi32>, vector<16xi32>], vector<16xf32>,
    %swap3A_657 = arith.constant 15 : i32
    %swap3A_658 = arith.index_cast %swap3A_657 : i32 to index
    %swap3A_659 = arith.constant 48 : index
    %swap3A_660 = tpu.vector_load %arg8[%swap3A_658, %swap3A_659] {strides = array<i32>} : memref<16x128xf32, #tpu.memory_space<vmem>>, vector<16xf32>,
    tpu.vector_store %arg8[%swap3A_658, %swap3A_659], %gather3A_656 {strides = array<i32>} : memref<16x128xf32, #tpu.memory_space<vmem>>, vector<16xf32>,
    %get3A_661 = arith.constant 64 : index
    %get3A_662 = tpu.vector_load %arg5[%get3A_661] {strides = array<i32>} : memref<128xi32, #tpu.memory_space<vmem>>, vector<16xi32>,
    %and3A_663 = arith.constant 1 : i32
    %and3A_664 = vector.broadcast %and3A_663 : i32 to vector<16xi32>
    %and3A_665 = arith.andi %get3A_662, %and3A_664 : vector<16xi32>
    %mul3A_666 = arith.constant 64 : i32
    %mul3A_667 = vector.broadcast %mul3A_666 : i32 to vector<16xi32>
    %mul3A_668 = arith.muli %and3A_665, %mul3A_667 : vector<16xi32>
    %mul3A_669 = arith.constant 16 : i32
    %mul3A_670 = arith.muli %select_n3A_30, %mul3A_669 : i32
    %add3A_671 = vector.broadcast %mul3A_670 : i32 to vector<16xi32>
    %add3A_672 = arith.addi %mul3A_668, %add3A_671 : vector<16xi32>
    %add3A_673 = arith.constant 64 : i32
    %add3A_674 = vector.broadcast %add3A_673 : i32 to vector<16xi32>
    %add3A_675 = arith.addi %iota3A, %add3A_674 : vector<16xi32>
    %add3A_676 = arith.constant 0 : i32
    %add3A_677 = vector.broadcast %add3A_676 : i32 to vector<16xi32>
    %add3A_678 = arith.addi %add3A_672, %add3A_677 : vector<16xi32>
    %gather3A_679 = tpu.vector_load_idx %arg7[%add3A_675, %add3A_678] : memref<128x128xf32, #tpu.memory_space<vmem>>[vector<16xi32>, vector<16xi32>], vector<16xf32>,
    %swap3A_680 = arith.constant 0 : i32
    %swap3A_681 = arith.index_cast %swap3A_680 : i32 to index
    %swap3A_682 = arith.constant 64 : index
    %swap3A_683 = tpu.vector_load %arg8[%swap3A_681, %swap3A_682] {strides = array<i32>} : memref<16x128xf32, #tpu.memory_space<vmem>>, vector<16xf32>,
    tpu.vector_store %arg8[%swap3A_681, %swap3A_682], %gather3A_679 {strides = array<i32>} : memref<16x128xf32, #tpu.memory_space<vmem>>, vector<16xf32>,
    %add3A_684 = arith.constant 1 : i32
    %add3A_685 = vector.broadcast %add3A_684 : i32 to vector<16xi32>
    %add3A_686 = arith.addi %add3A_672, %add3A_685 : vector<16xi32>
    %gather3A_687 = tpu.vector_load_idx %arg7[%add3A_675, %add3A_686] : memref<128x128xf32, #tpu.memory_space<vmem>>[vector<16xi32>, vector<16xi32>], vector<16xf32>,
    %swap3A_688 = arith.constant 1 : i32
    %swap3A_689 = arith.index_cast %swap3A_688 : i32 to index
    %swap3A_690 = arith.constant 64 : index
    %swap3A_691 = tpu.vector_load %arg8[%swap3A_689, %swap3A_690] {strides = array<i32>} : memref<16x128xf32, #tpu.memory_space<vmem>>, vector<16xf32>,
    tpu.vector_store %arg8[%swap3A_689, %swap3A_690], %gather3A_687 {strides = array<i32>} : memref<16x128xf32, #tpu.memory_space<vmem>>, vector<16xf32>,
    %add3A_692 = arith.constant 2 : i32
    %add3A_693 = vector.broadcast %add3A_692 : i32 to vector<16xi32>
    %add3A_694 = arith.addi %add3A_672, %add3A_693 : vector<16xi32>
    %gather3A_695 = tpu.vector_load_idx %arg7[%add3A_675, %add3A_694] : memref<128x128xf32, #tpu.memory_space<vmem>>[vector<16xi32>, vector<16xi32>], vector<16xf32>,
    %swap3A_696 = arith.constant 2 : i32
    %swap3A_697 = arith.index_cast %swap3A_696 : i32 to index
    %swap3A_698 = arith.constant 64 : index
    %swap3A_699 = tpu.vector_load %arg8[%swap3A_697, %swap3A_698] {strides = array<i32>} : memref<16x128xf32, #tpu.memory_space<vmem>>, vector<16xf32>,
    tpu.vector_store %arg8[%swap3A_697, %swap3A_698], %gather3A_695 {strides = array<i32>} : memref<16x128xf32, #tpu.memory_space<vmem>>, vector<16xf32>,
    %add3A_700 = arith.constant 3 : i32
    %add3A_701 = vector.broadcast %add3A_700 : i32 to vector<16xi32>
    %add3A_702 = arith.addi %add3A_672, %add3A_701 : vector<16xi32>
    %gather3A_703 = tpu.vector_load_idx %arg7[%add3A_675, %add3A_702] : memref<128x128xf32, #tpu.memory_space<vmem>>[vector<16xi32>, vector<16xi32>], vector<16xf32>,
    %swap3A_704 = arith.constant 3 : i32
    %swap3A_705 = arith.index_cast %swap3A_704 : i32 to index
    %swap3A_706 = arith.constant 64 : index
    %swap3A_707 = tpu.vector_load %arg8[%swap3A_705, %swap3A_706] {strides = array<i32>} : memref<16x128xf32, #tpu.memory_space<vmem>>, vector<16xf32>,
    tpu.vector_store %arg8[%swap3A_705, %swap3A_706], %gather3A_703 {strides = array<i32>} : memref<16x128xf32, #tpu.memory_space<vmem>>, vector<16xf32>,
    %add3A_708 = arith.constant 4 : i32
    %add3A_709 = vector.broadcast %add3A_708 : i32 to vector<16xi32>
    %add3A_710 = arith.addi %add3A_672, %add3A_709 : vector<16xi32>
    %gather3A_711 = tpu.vector_load_idx %arg7[%add3A_675, %add3A_710] : memref<128x128xf32, #tpu.memory_space<vmem>>[vector<16xi32>, vector<16xi32>], vector<16xf32>,
    %swap3A_712 = arith.constant 4 : i32
    %swap3A_713 = arith.index_cast %swap3A_712 : i32 to index
    %swap3A_714 = arith.constant 64 : index
    %swap3A_715 = tpu.vector_load %arg8[%swap3A_713, %swap3A_714] {strides = array<i32>} : memref<16x128xf32, #tpu.memory_space<vmem>>, vector<16xf32>,
    tpu.vector_store %arg8[%swap3A_713, %swap3A_714], %gather3A_711 {strides = array<i32>} : memref<16x128xf32, #tpu.memory_space<vmem>>, vector<16xf32>,
    %add3A_716 = arith.constant 5 : i32
    %add3A_717 = vector.broadcast %add3A_716 : i32 to vector<16xi32>
    %add3A_718 = arith.addi %add3A_672, %add3A_717 : vector<16xi32>
    %gather3A_719 = tpu.vector_load_idx %arg7[%add3A_675, %add3A_718] : memref<128x128xf32, #tpu.memory_space<vmem>>[vector<16xi32>, vector<16xi32>], vector<16xf32>,
    %swap3A_720 = arith.constant 5 : i32
    %swap3A_721 = arith.index_cast %swap3A_720 : i32 to index
    %swap3A_722 = arith.constant 64 : index
    %swap3A_723 = tpu.vector_load %arg8[%swap3A_721, %swap3A_722] {strides = array<i32>} : memref<16x128xf32, #tpu.memory_space<vmem>>, vector<16xf32>,
    tpu.vector_store %arg8[%swap3A_721, %swap3A_722], %gather3A_719 {strides = array<i32>} : memref<16x128xf32, #tpu.memory_space<vmem>>, vector<16xf32>,
    %add3A_724 = arith.constant 6 : i32
    %add3A_725 = vector.broadcast %add3A_724 : i32 to vector<16xi32>
    %add3A_726 = arith.addi %add3A_672, %add3A_725 : vector<16xi32>
    %gather3A_727 = tpu.vector_load_idx %arg7[%add3A_675, %add3A_726] : memref<128x128xf32, #tpu.memory_space<vmem>>[vector<16xi32>, vector<16xi32>], vector<16xf32>,
    %swap3A_728 = arith.constant 6 : i32
    %swap3A_729 = arith.index_cast %swap3A_728 : i32 to index
    %swap3A_730 = arith.constant 64 : index
    %swap3A_731 = tpu.vector_load %arg8[%swap3A_729, %swap3A_730] {strides = array<i32>} : memref<16x128xf32, #tpu.memory_space<vmem>>, vector<16xf32>,
    tpu.vector_store %arg8[%swap3A_729, %swap3A_730], %gather3A_727 {strides = array<i32>} : memref<16x128xf32, #tpu.memory_space<vmem>>, vector<16xf32>,
    %add3A_732 = arith.constant 7 : i32
    %add3A_733 = vector.broadcast %add3A_732 : i32 to vector<16xi32>
    %add3A_734 = arith.addi %add3A_672, %add3A_733 : vector<16xi32>
    %gather3A_735 = tpu.vector_load_idx %arg7[%add3A_675, %add3A_734] : memref<128x128xf32, #tpu.memory_space<vmem>>[vector<16xi32>, vector<16xi32>], vector<16xf32>,
    %swap3A_736 = arith.constant 7 : i32
    %swap3A_737 = arith.index_cast %swap3A_736 : i32 to index
    %swap3A_738 = arith.constant 64 : index
    %swap3A_739 = tpu.vector_load %arg8[%swap3A_737, %swap3A_738] {strides = array<i32>} : memref<16x128xf32, #tpu.memory_space<vmem>>, vector<16xf32>,
    tpu.vector_store %arg8[%swap3A_737, %swap3A_738], %gather3A_735 {strides = array<i32>} : memref<16x128xf32, #tpu.memory_space<vmem>>, vector<16xf32>,
    %add3A_740 = arith.constant 8 : i32
    %add3A_741 = vector.broadcast %add3A_740 : i32 to vector<16xi32>
    %add3A_742 = arith.addi %add3A_672, %add3A_741 : vector<16xi32>
    %gather3A_743 = tpu.vector_load_idx %arg7[%add3A_675, %add3A_742] : memref<128x128xf32, #tpu.memory_space<vmem>>[vector<16xi32>, vector<16xi32>], vector<16xf32>,
    %swap3A_744 = arith.constant 8 : i32
    %swap3A_745 = arith.index_cast %swap3A_744 : i32 to index
    %swap3A_746 = arith.constant 64 : index
    %swap3A_747 = tpu.vector_load %arg8[%swap3A_745, %swap3A_746] {strides = array<i32>} : memref<16x128xf32, #tpu.memory_space<vmem>>, vector<16xf32>,
    tpu.vector_store %arg8[%swap3A_745, %swap3A_746], %gather3A_743 {strides = array<i32>} : memref<16x128xf32, #tpu.memory_space<vmem>>, vector<16xf32>,
    %add3A_748 = arith.constant 9 : i32
    %add3A_749 = vector.broadcast %add3A_748 : i32 to vector<16xi32>
    %add3A_750 = arith.addi %add3A_672, %add3A_749 : vector<16xi32>
    %gather3A_751 = tpu.vector_load_idx %arg7[%add3A_675, %add3A_750] : memref<128x128xf32, #tpu.memory_space<vmem>>[vector<16xi32>, vector<16xi32>], vector<16xf32>,
    %swap3A_752 = arith.constant 9 : i32
    %swap3A_753 = arith.index_cast %swap3A_752 : i32 to index
    %swap3A_754 = arith.constant 64 : index
    %swap3A_755 = tpu.vector_load %arg8[%swap3A_753, %swap3A_754] {strides = array<i32>} : memref<16x128xf32, #tpu.memory_space<vmem>>, vector<16xf32>,
    tpu.vector_store %arg8[%swap3A_753, %swap3A_754], %gather3A_751 {strides = array<i32>} : memref<16x128xf32, #tpu.memory_space<vmem>>, vector<16xf32>,
    %add3A_756 = arith.constant 10 : i32
    %add3A_757 = vector.broadcast %add3A_756 : i32 to vector<16xi32>
    %add3A_758 = arith.addi %add3A_672, %add3A_757 : vector<16xi32>
    %gather3A_759 = tpu.vector_load_idx %arg7[%add3A_675, %add3A_758] : memref<128x128xf32, #tpu.memory_space<vmem>>[vector<16xi32>, vector<16xi32>], vector<16xf32>,
    %swap3A_760 = arith.constant 10 : i32
    %swap3A_761 = arith.index_cast %swap3A_760 : i32 to index
    %swap3A_762 = arith.constant 64 : index
    %swap3A_763 = tpu.vector_load %arg8[%swap3A_761, %swap3A_762] {strides = array<i32>} : memref<16x128xf32, #tpu.memory_space<vmem>>, vector<16xf32>,
    tpu.vector_store %arg8[%swap3A_761, %swap3A_762], %gather3A_759 {strides = array<i32>} : memref<16x128xf32, #tpu.memory_space<vmem>>, vector<16xf32>,
    %add3A_764 = arith.constant 11 : i32
    %add3A_765 = vector.broadcast %add3A_764 : i32 to vector<16xi32>
    %add3A_766 = arith.addi %add3A_672, %add3A_765 : vector<16xi32>
    %gather3A_767 = tpu.vector_load_idx %arg7[%add3A_675, %add3A_766] : memref<128x128xf32, #tpu.memory_space<vmem>>[vector<16xi32>, vector<16xi32>], vector<16xf32>,
    %swap3A_768 = arith.constant 11 : i32
    %swap3A_769 = arith.index_cast %swap3A_768 : i32 to index
    %swap3A_770 = arith.constant 64 : index
    %swap3A_771 = tpu.vector_load %arg8[%swap3A_769, %swap3A_770] {strides = array<i32>} : memref<16x128xf32, #tpu.memory_space<vmem>>, vector<16xf32>,
    tpu.vector_store %arg8[%swap3A_769, %swap3A_770], %gather3A_767 {strides = array<i32>} : memref<16x128xf32, #tpu.memory_space<vmem>>, vector<16xf32>,
    %add3A_772 = arith.constant 12 : i32
    %add3A_773 = vector.broadcast %add3A_772 : i32 to vector<16xi32>
    %add3A_774 = arith.addi %add3A_672, %add3A_773 : vector<16xi32>
    %gather3A_775 = tpu.vector_load_idx %arg7[%add3A_675, %add3A_774] : memref<128x128xf32, #tpu.memory_space<vmem>>[vector<16xi32>, vector<16xi32>], vector<16xf32>,
    %swap3A_776 = arith.constant 12 : i32
    %swap3A_777 = arith.index_cast %swap3A_776 : i32 to index
    %swap3A_778 = arith.constant 64 : index
    %swap3A_779 = tpu.vector_load %arg8[%swap3A_777, %swap3A_778] {strides = array<i32>} : memref<16x128xf32, #tpu.memory_space<vmem>>, vector<16xf32>,
    tpu.vector_store %arg8[%swap3A_777, %swap3A_778], %gather3A_775 {strides = array<i32>} : memref<16x128xf32, #tpu.memory_space<vmem>>, vector<16xf32>,
    %add3A_780 = arith.constant 13 : i32
    %add3A_781 = vector.broadcast %add3A_780 : i32 to vector<16xi32>
    %add3A_782 = arith.addi %add3A_672, %add3A_781 : vector<16xi32>
    %gather3A_783 = tpu.vector_load_idx %arg7[%add3A_675, %add3A_782] : memref<128x128xf32, #tpu.memory_space<vmem>>[vector<16xi32>, vector<16xi32>], vector<16xf32>,
    %swap3A_784 = arith.constant 13 : i32
    %swap3A_785 = arith.index_cast %swap3A_784 : i32 to index
    %swap3A_786 = arith.constant 64 : index
    %swap3A_787 = tpu.vector_load %arg8[%swap3A_785, %swap3A_786] {strides = array<i32>} : memref<16x128xf32, #tpu.memory_space<vmem>>, vector<16xf32>,
    tpu.vector_store %arg8[%swap3A_785, %swap3A_786], %gather3A_783 {strides = array<i32>} : memref<16x128xf32, #tpu.memory_space<vmem>>, vector<16xf32>,
    %add3A_788 = arith.constant 14 : i32
    %add3A_789 = vector.broadcast %add3A_788 : i32 to vector<16xi32>
    %add3A_790 = arith.addi %add3A_672, %add3A_789 : vector<16xi32>
    %gather3A_791 = tpu.vector_load_idx %arg7[%add3A_675, %add3A_790] : memref<128x128xf32, #tpu.memory_space<vmem>>[vector<16xi32>, vector<16xi32>], vector<16xf32>,
    %swap3A_792 = arith.constant 14 : i32
    %swap3A_793 = arith.index_cast %swap3A_792 : i32 to index
    %swap3A_794 = arith.constant 64 : index
    %swap3A_795 = tpu.vector_load %arg8[%swap3A_793, %swap3A_794] {strides = array<i32>} : memref<16x128xf32, #tpu.memory_space<vmem>>, vector<16xf32>,
    tpu.vector_store %arg8[%swap3A_793, %swap3A_794], %gather3A_791 {strides = array<i32>} : memref<16x128xf32, #tpu.memory_space<vmem>>, vector<16xf32>,
    %add3A_796 = arith.constant 15 : i32
    %add3A_797 = vector.broadcast %add3A_796 : i32 to vector<16xi32>
    %add3A_798 = arith.addi %add3A_672, %add3A_797 : vector<16xi32>
    %gather3A_799 = tpu.vector_load_idx %arg7[%add3A_675, %add3A_798] : memref<128x128xf32, #tpu.memory_space<vmem>>[vector<16xi32>, vector<16xi32>], vector<16xf32>,
    %swap3A_800 = arith.constant 15 : i32
    %swap3A_801 = arith.index_cast %swap3A_800 : i32 to index
    %swap3A_802 = arith.constant 64 : index
    %swap3A_803 = tpu.vector_load %arg8[%swap3A_801, %swap3A_802] {strides = array<i32>} : memref<16x128xf32, #tpu.memory_space<vmem>>, vector<16xf32>,
    tpu.vector_store %arg8[%swap3A_801, %swap3A_802], %gather3A_799 {strides = array<i32>} : memref<16x128xf32, #tpu.memory_space<vmem>>, vector<16xf32>,
    %get3A_804 = arith.constant 80 : index
    %get3A_805 = tpu.vector_load %arg5[%get3A_804] {strides = array<i32>} : memref<128xi32, #tpu.memory_space<vmem>>, vector<16xi32>,
    %and3A_806 = arith.constant 1 : i32
    %and3A_807 = vector.broadcast %and3A_806 : i32 to vector<16xi32>
    %and3A_808 = arith.andi %get3A_805, %and3A_807 : vector<16xi32>
    %mul3A_809 = arith.constant 64 : i32
    %mul3A_810 = vector.broadcast %mul3A_809 : i32 to vector<16xi32>
    %mul3A_811 = arith.muli %and3A_808, %mul3A_810 : vector<16xi32>
    %mul3A_812 = arith.constant 16 : i32
    %mul3A_813 = arith.muli %select_n3A_30, %mul3A_812 : i32
    %add3A_814 = vector.broadcast %mul3A_813 : i32 to vector<16xi32>
    %add3A_815 = arith.addi %mul3A_811, %add3A_814 : vector<16xi32>
    %add3A_816 = arith.constant 80 : i32
    %add3A_817 = vector.broadcast %add3A_816 : i32 to vector<16xi32>
    %add3A_818 = arith.addi %iota3A, %add3A_817 : vector<16xi32>
    %add3A_819 = arith.constant 0 : i32
    %add3A_820 = vector.broadcast %add3A_819 : i32 to vector<16xi32>
    %add3A_821 = arith.addi %add3A_815, %add3A_820 : vector<16xi32>
    %gather3A_822 = tpu.vector_load_idx %arg7[%add3A_818, %add3A_821] : memref<128x128xf32, #tpu.memory_space<vmem>>[vector<16xi32>, vector<16xi32>], vector<16xf32>,
    %swap3A_823 = arith.constant 0 : i32
    %swap3A_824 = arith.index_cast %swap3A_823 : i32 to index
    %swap3A_825 = arith.constant 80 : index
    %swap3A_826 = tpu.vector_load %arg8[%swap3A_824, %swap3A_825] {strides = array<i32>} : memref<16x128xf32, #tpu.memory_space<vmem>>, vector<16xf32>,
    tpu.vector_store %arg8[%swap3A_824, %swap3A_825], %gather3A_822 {strides = array<i32>} : memref<16x128xf32, #tpu.memory_space<vmem>>, vector<16xf32>,
    %add3A_827 = arith.constant 1 : i32
    %add3A_828 = vector.broadcast %add3A_827 : i32 to vector<16xi32>
    %add3A_829 = arith.addi %add3A_815, %add3A_828 : vector<16xi32>
    %gather3A_830 = tpu.vector_load_idx %arg7[%add3A_818, %add3A_829] : memref<128x128xf32, #tpu.memory_space<vmem>>[vector<16xi32>, vector<16xi32>], vector<16xf32>,
    %swap3A_831 = arith.constant 1 : i32
    %swap3A_832 = arith.index_cast %swap3A_831 : i32 to index
    %swap3A_833 = arith.constant 80 : index
    %swap3A_834 = tpu.vector_load %arg8[%swap3A_832, %swap3A_833] {strides = array<i32>} : memref<16x128xf32, #tpu.memory_space<vmem>>, vector<16xf32>,
    tpu.vector_store %arg8[%swap3A_832, %swap3A_833], %gather3A_830 {strides = array<i32>} : memref<16x128xf32, #tpu.memory_space<vmem>>, vector<16xf32>,
    %add3A_835 = arith.constant 2 : i32
    %add3A_836 = vector.broadcast %add3A_835 : i32 to vector<16xi32>
    %add3A_837 = arith.addi %add3A_815, %add3A_836 : vector<16xi32>
    %gather3A_838 = tpu.vector_load_idx %arg7[%add3A_818, %add3A_837] : memref<128x128xf32, #tpu.memory_space<vmem>>[vector<16xi32>, vector<16xi32>], vector<16xf32>,
    %swap3A_839 = arith.constant 2 : i32
    %swap3A_840 = arith.index_cast %swap3A_839 : i32 to index
    %swap3A_841 = arith.constant 80 : index
    %swap3A_842 = tpu.vector_load %arg8[%swap3A_840, %swap3A_841] {strides = array<i32>} : memref<16x128xf32, #tpu.memory_space<vmem>>, vector<16xf32>,
    tpu.vector_store %arg8[%swap3A_840, %swap3A_841], %gather3A_838 {strides = array<i32>} : memref<16x128xf32, #tpu.memory_space<vmem>>, vector<16xf32>,
    %add3A_843 = arith.constant 3 : i32
    %add3A_844 = vector.broadcast %add3A_843 : i32 to vector<16xi32>
    %add3A_845 = arith.addi %add3A_815, %add3A_844 : vector<16xi32>
    %gather3A_846 = tpu.vector_load_idx %arg7[%add3A_818, %add3A_845] : memref<128x128xf32, #tpu.memory_space<vmem>>[vector<16xi32>, vector<16xi32>], vector<16xf32>,
    %swap3A_847 = arith.constant 3 : i32
    %swap3A_848 = arith.index_cast %swap3A_847 : i32 to index
    %swap3A_849 = arith.constant 80 : index
    %swap3A_850 = tpu.vector_load %arg8[%swap3A_848, %swap3A_849] {strides = array<i32>} : memref<16x128xf32, #tpu.memory_space<vmem>>, vector<16xf32>,
    tpu.vector_store %arg8[%swap3A_848, %swap3A_849], %gather3A_846 {strides = array<i32>} : memref<16x128xf32, #tpu.memory_space<vmem>>, vector<16xf32>,
    %add3A_851 = arith.constant 4 : i32
    %add3A_852 = vector.broadcast %add3A_851 : i32 to vector<16xi32>
    %add3A_853 = arith.addi %add3A_815, %add3A_852 : vector<16xi32>
    %gather3A_854 = tpu.vector_load_idx %arg7[%add3A_818, %add3A_853] : memref<128x128xf32, #tpu.memory_space<vmem>>[vector<16xi32>, vector<16xi32>], vector<16xf32>,
    %swap3A_855 = arith.constant 4 : i32
    %swap3A_856 = arith.index_cast %swap3A_855 : i32 to index
    %swap3A_857 = arith.constant 80 : index
    %swap3A_858 = tpu.vector_load %arg8[%swap3A_856, %swap3A_857] {strides = array<i32>} : memref<16x128xf32, #tpu.memory_space<vmem>>, vector<16xf32>,
    tpu.vector_store %arg8[%swap3A_856, %swap3A_857], %gather3A_854 {strides = array<i32>} : memref<16x128xf32, #tpu.memory_space<vmem>>, vector<16xf32>,
    %add3A_859 = arith.constant 5 : i32
    %add3A_860 = vector.broadcast %add3A_859 : i32 to vector<16xi32>
    %add3A_861 = arith.addi %add3A_815, %add3A_860 : vector<16xi32>
    %gather3A_862 = tpu.vector_load_idx %arg7[%add3A_818, %add3A_861] : memref<128x128xf32, #tpu.memory_space<vmem>>[vector<16xi32>, vector<16xi32>], vector<16xf32>,
    %swap3A_863 = arith.constant 5 : i32
    %swap3A_864 = arith.index_cast %swap3A_863 : i32 to index
    %swap3A_865 = arith.constant 80 : index
    %swap3A_866 = tpu.vector_load %arg8[%swap3A_864, %swap3A_865] {strides = array<i32>} : memref<16x128xf32, #tpu.memory_space<vmem>>, vector<16xf32>,
    tpu.vector_store %arg8[%swap3A_864, %swap3A_865], %gather3A_862 {strides = array<i32>} : memref<16x128xf32, #tpu.memory_space<vmem>>, vector<16xf32>,
    %add3A_867 = arith.constant 6 : i32
    %add3A_868 = vector.broadcast %add3A_867 : i32 to vector<16xi32>
    %add3A_869 = arith.addi %add3A_815, %add3A_868 : vector<16xi32>
    %gather3A_870 = tpu.vector_load_idx %arg7[%add3A_818, %add3A_869] : memref<128x128xf32, #tpu.memory_space<vmem>>[vector<16xi32>, vector<16xi32>], vector<16xf32>,
    %swap3A_871 = arith.constant 6 : i32
    %swap3A_872 = arith.index_cast %swap3A_871 : i32 to index
    %swap3A_873 = arith.constant 80 : index
    %swap3A_874 = tpu.vector_load %arg8[%swap3A_872, %swap3A_873] {strides = array<i32>} : memref<16x128xf32, #tpu.memory_space<vmem>>, vector<16xf32>,
    tpu.vector_store %arg8[%swap3A_872, %swap3A_873], %gather3A_870 {strides = array<i32>} : memref<16x128xf32, #tpu.memory_space<vmem>>, vector<16xf32>,
    %add3A_875 = arith.constant 7 : i32
    %add3A_876 = vector.broadcast %add3A_875 : i32 to vector<16xi32>
    %add3A_877 = arith.addi %add3A_815, %add3A_876 : vector<16xi32>
    %gather3A_878 = tpu.vector_load_idx %arg7[%add3A_818, %add3A_877] : memref<128x128xf32, #tpu.memory_space<vmem>>[vector<16xi32>, vector<16xi32>], vector<16xf32>,
    %swap3A_879 = arith.constant 7 : i32
    %swap3A_880 = arith.index_cast %swap3A_879 : i32 to index
    %swap3A_881 = arith.constant 80 : index
    %swap3A_882 = tpu.vector_load %arg8[%swap3A_880, %swap3A_881] {strides = array<i32>} : memref<16x128xf32, #tpu.memory_space<vmem>>, vector<16xf32>,
    tpu.vector_store %arg8[%swap3A_880, %swap3A_881], %gather3A_878 {strides = array<i32>} : memref<16x128xf32, #tpu.memory_space<vmem>>, vector<16xf32>,
    %add3A_883 = arith.constant 8 : i32
    %add3A_884 = vector.broadcast %add3A_883 : i32 to vector<16xi32>
    %add3A_885 = arith.addi %add3A_815, %add3A_884 : vector<16xi32>
    %gather3A_886 = tpu.vector_load_idx %arg7[%add3A_818, %add3A_885] : memref<128x128xf32, #tpu.memory_space<vmem>>[vector<16xi32>, vector<16xi32>], vector<16xf32>,
    %swap3A_887 = arith.constant 8 : i32
    %swap3A_888 = arith.index_cast %swap3A_887 : i32 to index
    %swap3A_889 = arith.constant 80 : index
    %swap3A_890 = tpu.vector_load %arg8[%swap3A_888, %swap3A_889] {strides = array<i32>} : memref<16x128xf32, #tpu.memory_space<vmem>>, vector<16xf32>,
    tpu.vector_store %arg8[%swap3A_888, %swap3A_889], %gather3A_886 {strides = array<i32>} : memref<16x128xf32, #tpu.memory_space<vmem>>, vector<16xf32>,
    %add3A_891 = arith.constant 9 : i32
    %add3A_892 = vector.broadcast %add3A_891 : i32 to vector<16xi32>
    %add3A_893 = arith.addi %add3A_815, %add3A_892 : vector<16xi32>
    %gather3A_894 = tpu.vector_load_idx %arg7[%add3A_818, %add3A_893] : memref<128x128xf32, #tpu.memory_space<vmem>>[vector<16xi32>, vector<16xi32>], vector<16xf32>,
    %swap3A_895 = arith.constant 9 : i32
    %swap3A_896 = arith.index_cast %swap3A_895 : i32 to index
    %swap3A_897 = arith.constant 80 : index
    %swap3A_898 = tpu.vector_load %arg8[%swap3A_896, %swap3A_897] {strides = array<i32>} : memref<16x128xf32, #tpu.memory_space<vmem>>, vector<16xf32>,
    tpu.vector_store %arg8[%swap3A_896, %swap3A_897], %gather3A_894 {strides = array<i32>} : memref<16x128xf32, #tpu.memory_space<vmem>>, vector<16xf32>,
    %add3A_899 = arith.constant 10 : i32
    %add3A_900 = vector.broadcast %add3A_899 : i32 to vector<16xi32>
    %add3A_901 = arith.addi %add3A_815, %add3A_900 : vector<16xi32>
    %gather3A_902 = tpu.vector_load_idx %arg7[%add3A_818, %add3A_901] : memref<128x128xf32, #tpu.memory_space<vmem>>[vector<16xi32>, vector<16xi32>], vector<16xf32>,
    %swap3A_903 = arith.constant 10 : i32
    %swap3A_904 = arith.index_cast %swap3A_903 : i32 to index
    %swap3A_905 = arith.constant 80 : index
    %swap3A_906 = tpu.vector_load %arg8[%swap3A_904, %swap3A_905] {strides = array<i32>} : memref<16x128xf32, #tpu.memory_space<vmem>>, vector<16xf32>,
    tpu.vector_store %arg8[%swap3A_904, %swap3A_905], %gather3A_902 {strides = array<i32>} : memref<16x128xf32, #tpu.memory_space<vmem>>, vector<16xf32>,
    %add3A_907 = arith.constant 11 : i32
    %add3A_908 = vector.broadcast %add3A_907 : i32 to vector<16xi32>
    %add3A_909 = arith.addi %add3A_815, %add3A_908 : vector<16xi32>
    %gather3A_910 = tpu.vector_load_idx %arg7[%add3A_818, %add3A_909] : memref<128x128xf32, #tpu.memory_space<vmem>>[vector<16xi32>, vector<16xi32>], vector<16xf32>,
    %swap3A_911 = arith.constant 11 : i32
    %swap3A_912 = arith.index_cast %swap3A_911 : i32 to index
    %swap3A_913 = arith.constant 80 : index
    %swap3A_914 = tpu.vector_load %arg8[%swap3A_912, %swap3A_913] {strides = array<i32>} : memref<16x128xf32, #tpu.memory_space<vmem>>, vector<16xf32>,
    tpu.vector_store %arg8[%swap3A_912, %swap3A_913], %gather3A_910 {strides = array<i32>} : memref<16x128xf32, #tpu.memory_space<vmem>>, vector<16xf32>,
    %add3A_915 = arith.constant 12 : i32
    %add3A_916 = vector.broadcast %add3A_915 : i32 to vector<16xi32>
    %add3A_917 = arith.addi %add3A_815, %add3A_916 : vector<16xi32>
    %gather3A_918 = tpu.vector_load_idx %arg7[%add3A_818, %add3A_917] : memref<128x128xf32, #tpu.memory_space<vmem>>[vector<16xi32>, vector<16xi32>], vector<16xf32>,
    %swap3A_919 = arith.constant 12 : i32
    %swap3A_920 = arith.index_cast %swap3A_919 : i32 to index
    %swap3A_921 = arith.constant 80 : index
    %swap3A_922 = tpu.vector_load %arg8[%swap3A_920, %swap3A_921] {strides = array<i32>} : memref<16x128xf32, #tpu.memory_space<vmem>>, vector<16xf32>,
    tpu.vector_store %arg8[%swap3A_920, %swap3A_921], %gather3A_918 {strides = array<i32>} : memref<16x128xf32, #tpu.memory_space<vmem>>, vector<16xf32>,
    %add3A_923 = arith.constant 13 : i32
    %add3A_924 = vector.broadcast %add3A_923 : i32 to vector<16xi32>
    %add3A_925 = arith.addi %add3A_815, %add3A_924 : vector<16xi32>
    %gather3A_926 = tpu.vector_load_idx %arg7[%add3A_818, %add3A_925] : memref<128x128xf32, #tpu.memory_space<vmem>>[vector<16xi32>, vector<16xi32>], vector<16xf32>,
    %swap3A_927 = arith.constant 13 : i32
    %swap3A_928 = arith.index_cast %swap3A_927 : i32 to index
    %swap3A_929 = arith.constant 80 : index
    %swap3A_930 = tpu.vector_load %arg8[%swap3A_928, %swap3A_929] {strides = array<i32>} : memref<16x128xf32, #tpu.memory_space<vmem>>, vector<16xf32>,
    tpu.vector_store %arg8[%swap3A_928, %swap3A_929], %gather3A_926 {strides = array<i32>} : memref<16x128xf32, #tpu.memory_space<vmem>>, vector<16xf32>,
    %add3A_931 = arith.constant 14 : i32
    %add3A_932 = vector.broadcast %add3A_931 : i32 to vector<16xi32>
    %add3A_933 = arith.addi %add3A_815, %add3A_932 : vector<16xi32>
    %gather3A_934 = tpu.vector_load_idx %arg7[%add3A_818, %add3A_933] : memref<128x128xf32, #tpu.memory_space<vmem>>[vector<16xi32>, vector<16xi32>], vector<16xf32>,
    %swap3A_935 = arith.constant 14 : i32
    %swap3A_936 = arith.index_cast %swap3A_935 : i32 to index
    %swap3A_937 = arith.constant 80 : index
    %swap3A_938 = tpu.vector_load %arg8[%swap3A_936, %swap3A_937] {strides = array<i32>} : memref<16x128xf32, #tpu.memory_space<vmem>>, vector<16xf32>,
    tpu.vector_store %arg8[%swap3A_936, %swap3A_937], %gather3A_934 {strides = array<i32>} : memref<16x128xf32, #tpu.memory_space<vmem>>, vector<16xf32>,
    %add3A_939 = arith.constant 15 : i32
    %add3A_940 = vector.broadcast %add3A_939 : i32 to vector<16xi32>
    %add3A_941 = arith.addi %add3A_815, %add3A_940 : vector<16xi32>
    %gather3A_942 = tpu.vector_load_idx %arg7[%add3A_818, %add3A_941] : memref<128x128xf32, #tpu.memory_space<vmem>>[vector<16xi32>, vector<16xi32>], vector<16xf32>,
    %swap3A_943 = arith.constant 15 : i32
    %swap3A_944 = arith.index_cast %swap3A_943 : i32 to index
    %swap3A_945 = arith.constant 80 : index
    %swap3A_946 = tpu.vector_load %arg8[%swap3A_944, %swap3A_945] {strides = array<i32>} : memref<16x128xf32, #tpu.memory_space<vmem>>, vector<16xf32>,
    tpu.vector_store %arg8[%swap3A_944, %swap3A_945], %gather3A_942 {strides = array<i32>} : memref<16x128xf32, #tpu.memory_space<vmem>>, vector<16xf32>,
    %get3A_947 = arith.constant 96 : index
    %get3A_948 = tpu.vector_load %arg5[%get3A_947] {strides = array<i32>} : memref<128xi32, #tpu.memory_space<vmem>>, vector<16xi32>,
    %and3A_949 = arith.constant 1 : i32
    %and3A_950 = vector.broadcast %and3A_949 : i32 to vector<16xi32>
    %and3A_951 = arith.andi %get3A_948, %and3A_950 : vector<16xi32>
    %mul3A_952 = arith.constant 64 : i32
    %mul3A_953 = vector.broadcast %mul3A_952 : i32 to vector<16xi32>
    %mul3A_954 = arith.muli %and3A_951, %mul3A_953 : vector<16xi32>
    %mul3A_955 = arith.constant 16 : i32
    %mul3A_956 = arith.muli %select_n3A_30, %mul3A_955 : i32
    %add3A_957 = vector.broadcast %mul3A_956 : i32 to vector<16xi32>
    %add3A_958 = arith.addi %mul3A_954, %add3A_957 : vector<16xi32>
    %add3A_959 = arith.constant 96 : i32
    %add3A_960 = vector.broadcast %add3A_959 : i32 to vector<16xi32>
    %add3A_961 = arith.addi %iota3A, %add3A_960 : vector<16xi32>
    %add3A_962 = arith.constant 0 : i32
    %add3A_963 = vector.broadcast %add3A_962 : i32 to vector<16xi32>
    %add3A_964 = arith.addi %add3A_958, %add3A_963 : vector<16xi32>
    %gather3A_965 = tpu.vector_load_idx %arg7[%add3A_961, %add3A_964] : memref<128x128xf32, #tpu.memory_space<vmem>>[vector<16xi32>, vector<16xi32>], vector<16xf32>,
    %swap3A_966 = arith.constant 0 : i32
    %swap3A_967 = arith.index_cast %swap3A_966 : i32 to index
    %swap3A_968 = arith.constant 96 : index
    %swap3A_969 = tpu.vector_load %arg8[%swap3A_967, %swap3A_968] {strides = array<i32>} : memref<16x128xf32, #tpu.memory_space<vmem>>, vector<16xf32>,
    tpu.vector_store %arg8[%swap3A_967, %swap3A_968], %gather3A_965 {strides = array<i32>} : memref<16x128xf32, #tpu.memory_space<vmem>>, vector<16xf32>,
    %add3A_970 = arith.constant 1 : i32
    %add3A_971 = vector.broadcast %add3A_970 : i32 to vector<16xi32>
    %add3A_972 = arith.addi %add3A_958, %add3A_971 : vector<16xi32>
    %gather3A_973 = tpu.vector_load_idx %arg7[%add3A_961, %add3A_972] : memref<128x128xf32, #tpu.memory_space<vmem>>[vector<16xi32>, vector<16xi32>], vector<16xf32>,
    %swap3A_974 = arith.constant 1 : i32
    %swap3A_975 = arith.index_cast %swap3A_974 : i32 to index
    %swap3A_976 = arith.constant 96 : index
    %swap3A_977 = tpu.vector_load %arg8[%swap3A_975, %swap3A_976] {strides = array<i32>} : memref<16x128xf32, #tpu.memory_space<vmem>>, vector<16xf32>,
    tpu.vector_store %arg8[%swap3A_975, %swap3A_976], %gather3A_973 {strides = array<i32>} : memref<16x128xf32, #tpu.memory_space<vmem>>, vector<16xf32>,
    %add3A_978 = arith.constant 2 : i32
    %add3A_979 = vector.broadcast %add3A_978 : i32 to vector<16xi32>
    %add3A_980 = arith.addi %add3A_958, %add3A_979 : vector<16xi32>
    %gather3A_981 = tpu.vector_load_idx %arg7[%add3A_961, %add3A_980] : memref<128x128xf32, #tpu.memory_space<vmem>>[vector<16xi32>, vector<16xi32>], vector<16xf32>,
    %swap3A_982 = arith.constant 2 : i32
    %swap3A_983 = arith.index_cast %swap3A_982 : i32 to index
    %swap3A_984 = arith.constant 96 : index
    %swap3A_985 = tpu.vector_load %arg8[%swap3A_983, %swap3A_984] {strides = array<i32>} : memref<16x128xf32, #tpu.memory_space<vmem>>, vector<16xf32>,
    tpu.vector_store %arg8[%swap3A_983, %swap3A_984], %gather3A_981 {strides = array<i32>} : memref<16x128xf32, #tpu.memory_space<vmem>>, vector<16xf32>,
    %add3A_986 = arith.constant 3 : i32
    %add3A_987 = vector.broadcast %add3A_986 : i32 to vector<16xi32>
    %add3A_988 = arith.addi %add3A_958, %add3A_987 : vector<16xi32>
    %gather3A_989 = tpu.vector_load_idx %arg7[%add3A_961, %add3A_988] : memref<128x128xf32, #tpu.memory_space<vmem>>[vector<16xi32>, vector<16xi32>], vector<16xf32>,
    %swap3A_990 = arith.constant 3 : i32
    %swap3A_991 = arith.index_cast %swap3A_990 : i32 to index
    %swap3A_992 = arith.constant 96 : index
    %swap3A_993 = tpu.vector_load %arg8[%swap3A_991, %swap3A_992] {strides = array<i32>} : memref<16x128xf32, #tpu.memory_space<vmem>>, vector<16xf32>,
    tpu.vector_store %arg8[%swap3A_991, %swap3A_992], %gather3A_989 {strides = array<i32>} : memref<16x128xf32, #tpu.memory_space<vmem>>, vector<16xf32>,
    %add3A_994 = arith.constant 4 : i32
    %add3A_995 = vector.broadcast %add3A_994 : i32 to vector<16xi32>
    %add3A_996 = arith.addi %add3A_958, %add3A_995 : vector<16xi32>
    %gather3A_997 = tpu.vector_load_idx %arg7[%add3A_961, %add3A_996] : memref<128x128xf32, #tpu.memory_space<vmem>>[vector<16xi32>, vector<16xi32>], vector<16xf32>,
    %swap3A_998 = arith.constant 4 : i32
    %swap3A_999 = arith.index_cast %swap3A_998 : i32 to index
    %swap3A_1000 = arith.constant 96 : index
    %swap3A_1001 = tpu.vector_load %arg8[%swap3A_999, %swap3A_1000] {strides = array<i32>} : memref<16x128xf32, #tpu.memory_space<vmem>>, vector<16xf32>,
    tpu.vector_store %arg8[%swap3A_999, %swap3A_1000], %gather3A_997 {strides = array<i32>} : memref<16x128xf32, #tpu.memory_space<vmem>>, vector<16xf32>,
    %add3A_1002 = arith.constant 5 : i32
    %add3A_1003 = vector.broadcast %add3A_1002 : i32 to vector<16xi32>
    %add3A_1004 = arith.addi %add3A_958, %add3A_1003 : vector<16xi32>
    %gather3A_1005 = tpu.vector_load_idx %arg7[%add3A_961, %add3A_1004] : memref<128x128xf32, #tpu.memory_space<vmem>>[vector<16xi32>, vector<16xi32>], vector<16xf32>,
    %swap3A_1006 = arith.constant 5 : i32
    %swap3A_1007 = arith.index_cast %swap3A_1006 : i32 to index
    %swap3A_1008 = arith.constant 96 : index
    %swap3A_1009 = tpu.vector_load %arg8[%swap3A_1007, %swap3A_1008] {strides = array<i32>} : memref<16x128xf32, #tpu.memory_space<vmem>>, vector<16xf32>,
    tpu.vector_store %arg8[%swap3A_1007, %swap3A_1008], %gather3A_1005 {strides = array<i32>} : memref<16x128xf32, #tpu.memory_space<vmem>>, vector<16xf32>,
    %add3A_1010 = arith.constant 6 : i32
    %add3A_1011 = vector.broadcast %add3A_1010 : i32 to vector<16xi32>
    %add3A_1012 = arith.addi %add3A_958, %add3A_1011 : vector<16xi32>
    %gather3A_1013 = tpu.vector_load_idx %arg7[%add3A_961, %add3A_1012] : memref<128x128xf32, #tpu.memory_space<vmem>>[vector<16xi32>, vector<16xi32>], vector<16xf32>,
    %swap3A_1014 = arith.constant 6 : i32
    %swap3A_1015 = arith.index_cast %swap3A_1014 : i32 to index
    %swap3A_1016 = arith.constant 96 : index
    %swap3A_1017 = tpu.vector_load %arg8[%swap3A_1015, %swap3A_1016] {strides = array<i32>} : memref<16x128xf32, #tpu.memory_space<vmem>>, vector<16xf32>,
    tpu.vector_store %arg8[%swap3A_1015, %swap3A_1016], %gather3A_1013 {strides = array<i32>} : memref<16x128xf32, #tpu.memory_space<vmem>>, vector<16xf32>,
    %add3A_1018 = arith.constant 7 : i32
    %add3A_1019 = vector.broadcast %add3A_1018 : i32 to vector<16xi32>
    %add3A_1020 = arith.addi %add3A_958, %add3A_1019 : vector<16xi32>
    %gather3A_1021 = tpu.vector_load_idx %arg7[%add3A_961, %add3A_1020] : memref<128x128xf32, #tpu.memory_space<vmem>>[vector<16xi32>, vector<16xi32>], vector<16xf32>,
    %swap3A_1022 = arith.constant 7 : i32
    %swap3A_1023 = arith.index_cast %swap3A_1022 : i32 to index
    %swap3A_1024 = arith.constant 96 : index
    %swap3A_1025 = tpu.vector_load %arg8[%swap3A_1023, %swap3A_1024] {strides = array<i32>} : memref<16x128xf32, #tpu.memory_space<vmem>>, vector<16xf32>,
    tpu.vector_store %arg8[%swap3A_1023, %swap3A_1024], %gather3A_1021 {strides = array<i32>} : memref<16x128xf32, #tpu.memory_space<vmem>>, vector<16xf32>,
    %add3A_1026 = arith.constant 8 : i32
    %add3A_1027 = vector.broadcast %add3A_1026 : i32 to vector<16xi32>
    %add3A_1028 = arith.addi %add3A_958, %add3A_1027 : vector<16xi32>
    %gather3A_1029 = tpu.vector_load_idx %arg7[%add3A_961, %add3A_1028] : memref<128x128xf32, #tpu.memory_space<vmem>>[vector<16xi32>, vector<16xi32>], vector<16xf32>,
    %swap3A_1030 = arith.constant 8 : i32
    %swap3A_1031 = arith.index_cast %swap3A_1030 : i32 to index
    %swap3A_1032 = arith.constant 96 : index
    %swap3A_1033 = tpu.vector_load %arg8[%swap3A_1031, %swap3A_1032] {strides = array<i32>} : memref<16x128xf32, #tpu.memory_space<vmem>>, vector<16xf32>,
    tpu.vector_store %arg8[%swap3A_1031, %swap3A_1032], %gather3A_1029 {strides = array<i32>} : memref<16x128xf32, #tpu.memory_space<vmem>>, vector<16xf32>,
    %add3A_1034 = arith.constant 9 : i32
    %add3A_1035 = vector.broadcast %add3A_1034 : i32 to vector<16xi32>
    %add3A_1036 = arith.addi %add3A_958, %add3A_1035 : vector<16xi32>
    %gather3A_1037 = tpu.vector_load_idx %arg7[%add3A_961, %add3A_1036] : memref<128x128xf32, #tpu.memory_space<vmem>>[vector<16xi32>, vector<16xi32>], vector<16xf32>,
    %swap3A_1038 = arith.constant 9 : i32
    %swap3A_1039 = arith.index_cast %swap3A_1038 : i32 to index
    %swap3A_1040 = arith.constant 96 : index
    %swap3A_1041 = tpu.vector_load %arg8[%swap3A_1039, %swap3A_1040] {strides = array<i32>} : memref<16x128xf32, #tpu.memory_space<vmem>>, vector<16xf32>,
    tpu.vector_store %arg8[%swap3A_1039, %swap3A_1040], %gather3A_1037 {strides = array<i32>} : memref<16x128xf32, #tpu.memory_space<vmem>>, vector<16xf32>,
    %add3A_1042 = arith.constant 10 : i32
    %add3A_1043 = vector.broadcast %add3A_1042 : i32 to vector<16xi32>
    %add3A_1044 = arith.addi %add3A_958, %add3A_1043 : vector<16xi32>
    %gather3A_1045 = tpu.vector_load_idx %arg7[%add3A_961, %add3A_1044] : memref<128x128xf32, #tpu.memory_space<vmem>>[vector<16xi32>, vector<16xi32>], vector<16xf32>,
    %swap3A_1046 = arith.constant 10 : i32
    %swap3A_1047 = arith.index_cast %swap3A_1046 : i32 to index
    %swap3A_1048 = arith.constant 96 : index
    %swap3A_1049 = tpu.vector_load %arg8[%swap3A_1047, %swap3A_1048] {strides = array<i32>} : memref<16x128xf32, #tpu.memory_space<vmem>>, vector<16xf32>,
    tpu.vector_store %arg8[%swap3A_1047, %swap3A_1048], %gather3A_1045 {strides = array<i32>} : memref<16x128xf32, #tpu.memory_space<vmem>>, vector<16xf32>,
    %add3A_1050 = arith.constant 11 : i32
    %add3A_1051 = vector.broadcast %add3A_1050 : i32 to vector<16xi32>
    %add3A_1052 = arith.addi %add3A_958, %add3A_1051 : vector<16xi32>
    %gather3A_1053 = tpu.vector_load_idx %arg7[%add3A_961, %add3A_1052] : memref<128x128xf32, #tpu.memory_space<vmem>>[vector<16xi32>, vector<16xi32>], vector<16xf32>,
    %swap3A_1054 = arith.constant 11 : i32
    %swap3A_1055 = arith.index_cast %swap3A_1054 : i32 to index
    %swap3A_1056 = arith.constant 96 : index
    %swap3A_1057 = tpu.vector_load %arg8[%swap3A_1055, %swap3A_1056] {strides = array<i32>} : memref<16x128xf32, #tpu.memory_space<vmem>>, vector<16xf32>,
    tpu.vector_store %arg8[%swap3A_1055, %swap3A_1056], %gather3A_1053 {strides = array<i32>} : memref<16x128xf32, #tpu.memory_space<vmem>>, vector<16xf32>,
    %add3A_1058 = arith.constant 12 : i32
    %add3A_1059 = vector.broadcast %add3A_1058 : i32 to vector<16xi32>
    %add3A_1060 = arith.addi %add3A_958, %add3A_1059 : vector<16xi32>
    %gather3A_1061 = tpu.vector_load_idx %arg7[%add3A_961, %add3A_1060] : memref<128x128xf32, #tpu.memory_space<vmem>>[vector<16xi32>, vector<16xi32>], vector<16xf32>,
    %swap3A_1062 = arith.constant 12 : i32
    %swap3A_1063 = arith.index_cast %swap3A_1062 : i32 to index
    %swap3A_1064 = arith.constant 96 : index
    %swap3A_1065 = tpu.vector_load %arg8[%swap3A_1063, %swap3A_1064] {strides = array<i32>} : memref<16x128xf32, #tpu.memory_space<vmem>>, vector<16xf32>,
    tpu.vector_store %arg8[%swap3A_1063, %swap3A_1064], %gather3A_1061 {strides = array<i32>} : memref<16x128xf32, #tpu.memory_space<vmem>>, vector<16xf32>,
    %add3A_1066 = arith.constant 13 : i32
    %add3A_1067 = vector.broadcast %add3A_1066 : i32 to vector<16xi32>
    %add3A_1068 = arith.addi %add3A_958, %add3A_1067 : vector<16xi32>
    %gather3A_1069 = tpu.vector_load_idx %arg7[%add3A_961, %add3A_1068] : memref<128x128xf32, #tpu.memory_space<vmem>>[vector<16xi32>, vector<16xi32>], vector<16xf32>,
    %swap3A_1070 = arith.constant 13 : i32
    %swap3A_1071 = arith.index_cast %swap3A_1070 : i32 to index
    %swap3A_1072 = arith.constant 96 : index
    %swap3A_1073 = tpu.vector_load %arg8[%swap3A_1071, %swap3A_1072] {strides = array<i32>} : memref<16x128xf32, #tpu.memory_space<vmem>>, vector<16xf32>,
    tpu.vector_store %arg8[%swap3A_1071, %swap3A_1072], %gather3A_1069 {strides = array<i32>} : memref<16x128xf32, #tpu.memory_space<vmem>>, vector<16xf32>,
    %add3A_1074 = arith.constant 14 : i32
    %add3A_1075 = vector.broadcast %add3A_1074 : i32 to vector<16xi32>
    %add3A_1076 = arith.addi %add3A_958, %add3A_1075 : vector<16xi32>
    %gather3A_1077 = tpu.vector_load_idx %arg7[%add3A_961, %add3A_1076] : memref<128x128xf32, #tpu.memory_space<vmem>>[vector<16xi32>, vector<16xi32>], vector<16xf32>,
    %swap3A_1078 = arith.constant 14 : i32
    %swap3A_1079 = arith.index_cast %swap3A_1078 : i32 to index
    %swap3A_1080 = arith.constant 96 : index
    %swap3A_1081 = tpu.vector_load %arg8[%swap3A_1079, %swap3A_1080] {strides = array<i32>} : memref<16x128xf32, #tpu.memory_space<vmem>>, vector<16xf32>,
    tpu.vector_store %arg8[%swap3A_1079, %swap3A_1080], %gather3A_1077 {strides = array<i32>} : memref<16x128xf32, #tpu.memory_space<vmem>>, vector<16xf32>,
    %add3A_1082 = arith.constant 15 : i32
    %add3A_1083 = vector.broadcast %add3A_1082 : i32 to vector<16xi32>
    %add3A_1084 = arith.addi %add3A_958, %add3A_1083 : vector<16xi32>
    %gather3A_1085 = tpu.vector_load_idx %arg7[%add3A_961, %add3A_1084] : memref<128x128xf32, #tpu.memory_space<vmem>>[vector<16xi32>, vector<16xi32>], vector<16xf32>,
    %swap3A_1086 = arith.constant 15 : i32
    %swap3A_1087 = arith.index_cast %swap3A_1086 : i32 to index
    %swap3A_1088 = arith.constant 96 : index
    %swap3A_1089 = tpu.vector_load %arg8[%swap3A_1087, %swap3A_1088] {strides = array<i32>} : memref<16x128xf32, #tpu.memory_space<vmem>>, vector<16xf32>,
    tpu.vector_store %arg8[%swap3A_1087, %swap3A_1088], %gather3A_1085 {strides = array<i32>} : memref<16x128xf32, #tpu.memory_space<vmem>>, vector<16xf32>,
    %get3A_1090 = arith.constant 112 : index
    %get3A_1091 = tpu.vector_load %arg5[%get3A_1090] {strides = array<i32>} : memref<128xi32, #tpu.memory_space<vmem>>, vector<16xi32>,
    %and3A_1092 = arith.constant 1 : i32
    %and3A_1093 = vector.broadcast %and3A_1092 : i32 to vector<16xi32>
    %and3A_1094 = arith.andi %get3A_1091, %and3A_1093 : vector<16xi32>
    %mul3A_1095 = arith.constant 64 : i32
    %mul3A_1096 = vector.broadcast %mul3A_1095 : i32 to vector<16xi32>
    %mul3A_1097 = arith.muli %and3A_1094, %mul3A_1096 : vector<16xi32>
    %mul3A_1098 = arith.constant 16 : i32
    %mul3A_1099 = arith.muli %select_n3A_30, %mul3A_1098 : i32
    %add3A_1100 = vector.broadcast %mul3A_1099 : i32 to vector<16xi32>
    %add3A_1101 = arith.addi %mul3A_1097, %add3A_1100 : vector<16xi32>
    %add3A_1102 = arith.constant 112 : i32
    %add3A_1103 = vector.broadcast %add3A_1102 : i32 to vector<16xi32>
    %add3A_1104 = arith.addi %iota3A, %add3A_1103 : vector<16xi32>
    %add3A_1105 = arith.constant 0 : i32
    %add3A_1106 = vector.broadcast %add3A_1105 : i32 to vector<16xi32>
    %add3A_1107 = arith.addi %add3A_1101, %add3A_1106 : vector<16xi32>
    %gather3A_1108 = tpu.vector_load_idx %arg7[%add3A_1104, %add3A_1107] : memref<128x128xf32, #tpu.memory_space<vmem>>[vector<16xi32>, vector<16xi32>], vector<16xf32>,
    %swap3A_1109 = arith.constant 0 : i32
    %swap3A_1110 = arith.index_cast %swap3A_1109 : i32 to index
    %swap3A_1111 = arith.constant 112 : index
    %swap3A_1112 = tpu.vector_load %arg8[%swap3A_1110, %swap3A_1111] {strides = array<i32>} : memref<16x128xf32, #tpu.memory_space<vmem>>, vector<16xf32>,
    tpu.vector_store %arg8[%swap3A_1110, %swap3A_1111], %gather3A_1108 {strides = array<i32>} : memref<16x128xf32, #tpu.memory_space<vmem>>, vector<16xf32>,
    %add3A_1113 = arith.constant 1 : i32
    %add3A_1114 = vector.broadcast %add3A_1113 : i32 to vector<16xi32>
    %add3A_1115 = arith.addi %add3A_1101, %add3A_1114 : vector<16xi32>
    %gather3A_1116 = tpu.vector_load_idx %arg7[%add3A_1104, %add3A_1115] : memref<128x128xf32, #tpu.memory_space<vmem>>[vector<16xi32>, vector<16xi32>], vector<16xf32>,
    %swap3A_1117 = arith.constant 1 : i32
    %swap3A_1118 = arith.index_cast %swap3A_1117 : i32 to index
    %swap3A_1119 = arith.constant 112 : index
    %swap3A_1120 = tpu.vector_load %arg8[%swap3A_1118, %swap3A_1119] {strides = array<i32>} : memref<16x128xf32, #tpu.memory_space<vmem>>, vector<16xf32>,
    tpu.vector_store %arg8[%swap3A_1118, %swap3A_1119], %gather3A_1116 {strides = array<i32>} : memref<16x128xf32, #tpu.memory_space<vmem>>, vector<16xf32>,
    %add3A_1121 = arith.constant 2 : i32
    %add3A_1122 = vector.broadcast %add3A_1121 : i32 to vector<16xi32>
    %add3A_1123 = arith.addi %add3A_1101, %add3A_1122 : vector<16xi32>
    %gather3A_1124 = tpu.vector_load_idx %arg7[%add3A_1104, %add3A_1123] : memref<128x128xf32, #tpu.memory_space<vmem>>[vector<16xi32>, vector<16xi32>], vector<16xf32>,
    %swap3A_1125 = arith.constant 2 : i32
    %swap3A_1126 = arith.index_cast %swap3A_1125 : i32 to index
    %swap3A_1127 = arith.constant 112 : index
    %swap3A_1128 = tpu.vector_load %arg8[%swap3A_1126, %swap3A_1127] {strides = array<i32>} : memref<16x128xf32, #tpu.memory_space<vmem>>, vector<16xf32>,
    tpu.vector_store %arg8[%swap3A_1126, %swap3A_1127], %gather3A_1124 {strides = array<i32>} : memref<16x128xf32, #tpu.memory_space<vmem>>, vector<16xf32>,
    %add3A_1129 = arith.constant 3 : i32
    %add3A_1130 = vector.broadcast %add3A_1129 : i32 to vector<16xi32>
    %add3A_1131 = arith.addi %add3A_1101, %add3A_1130 : vector<16xi32>
    %gather3A_1132 = tpu.vector_load_idx %arg7[%add3A_1104, %add3A_1131] : memref<128x128xf32, #tpu.memory_space<vmem>>[vector<16xi32>, vector<16xi32>], vector<16xf32>,
    %swap3A_1133 = arith.constant 3 : i32
    %swap3A_1134 = arith.index_cast %swap3A_1133 : i32 to index
    %swap3A_1135 = arith.constant 112 : index
    %swap3A_1136 = tpu.vector_load %arg8[%swap3A_1134, %swap3A_1135] {strides = array<i32>} : memref<16x128xf32, #tpu.memory_space<vmem>>, vector<16xf32>,
    tpu.vector_store %arg8[%swap3A_1134, %swap3A_1135], %gather3A_1132 {strides = array<i32>} : memref<16x128xf32, #tpu.memory_space<vmem>>, vector<16xf32>,
    %add3A_1137 = arith.constant 4 : i32
    %add3A_1138 = vector.broadcast %add3A_1137 : i32 to vector<16xi32>
    %add3A_1139 = arith.addi %add3A_1101, %add3A_1138 : vector<16xi32>
    %gather3A_1140 = tpu.vector_load_idx %arg7[%add3A_1104, %add3A_1139] : memref<128x128xf32, #tpu.memory_space<vmem>>[vector<16xi32>, vector<16xi32>], vector<16xf32>,
    %swap3A_1141 = arith.constant 4 : i32
    %swap3A_1142 = arith.index_cast %swap3A_1141 : i32 to index
    %swap3A_1143 = arith.constant 112 : index
    %swap3A_1144 = tpu.vector_load %arg8[%swap3A_1142, %swap3A_1143] {strides = array<i32>} : memref<16x128xf32, #tpu.memory_space<vmem>>, vector<16xf32>,
    tpu.vector_store %arg8[%swap3A_1142, %swap3A_1143], %gather3A_1140 {strides = array<i32>} : memref<16x128xf32, #tpu.memory_space<vmem>>, vector<16xf32>,
    %add3A_1145 = arith.constant 5 : i32
    %add3A_1146 = vector.broadcast %add3A_1145 : i32 to vector<16xi32>
    %add3A_1147 = arith.addi %add3A_1101, %add3A_1146 : vector<16xi32>
    %gather3A_1148 = tpu.vector_load_idx %arg7[%add3A_1104, %add3A_1147] : memref<128x128xf32, #tpu.memory_space<vmem>>[vector<16xi32>, vector<16xi32>], vector<16xf32>,
    %swap3A_1149 = arith.constant 5 : i32
    %swap3A_1150 = arith.index_cast %swap3A_1149 : i32 to index
    %swap3A_1151 = arith.constant 112 : index
    %swap3A_1152 = tpu.vector_load %arg8[%swap3A_1150, %swap3A_1151] {strides = array<i32>} : memref<16x128xf32, #tpu.memory_space<vmem>>, vector<16xf32>,
    tpu.vector_store %arg8[%swap3A_1150, %swap3A_1151], %gather3A_1148 {strides = array<i32>} : memref<16x128xf32, #tpu.memory_space<vmem>>, vector<16xf32>,
    %add3A_1153 = arith.constant 6 : i32
    %add3A_1154 = vector.broadcast %add3A_1153 : i32 to vector<16xi32>
    %add3A_1155 = arith.addi %add3A_1101, %add3A_1154 : vector<16xi32>
    %gather3A_1156 = tpu.vector_load_idx %arg7[%add3A_1104, %add3A_1155] : memref<128x128xf32, #tpu.memory_space<vmem>>[vector<16xi32>, vector<16xi32>], vector<16xf32>,
    %swap3A_1157 = arith.constant 6 : i32
    %swap3A_1158 = arith.index_cast %swap3A_1157 : i32 to index
    %swap3A_1159 = arith.constant 112 : index
    %swap3A_1160 = tpu.vector_load %arg8[%swap3A_1158, %swap3A_1159] {strides = array<i32>} : memref<16x128xf32, #tpu.memory_space<vmem>>, vector<16xf32>,
    tpu.vector_store %arg8[%swap3A_1158, %swap3A_1159], %gather3A_1156 {strides = array<i32>} : memref<16x128xf32, #tpu.memory_space<vmem>>, vector<16xf32>,
    %add3A_1161 = arith.constant 7 : i32
    %add3A_1162 = vector.broadcast %add3A_1161 : i32 to vector<16xi32>
    %add3A_1163 = arith.addi %add3A_1101, %add3A_1162 : vector<16xi32>
    %gather3A_1164 = tpu.vector_load_idx %arg7[%add3A_1104, %add3A_1163] : memref<128x128xf32, #tpu.memory_space<vmem>>[vector<16xi32>, vector<16xi32>], vector<16xf32>,
    %swap3A_1165 = arith.constant 7 : i32
    %swap3A_1166 = arith.index_cast %swap3A_1165 : i32 to index
    %swap3A_1167 = arith.constant 112 : index
    %swap3A_1168 = tpu.vector_load %arg8[%swap3A_1166, %swap3A_1167] {strides = array<i32>} : memref<16x128xf32, #tpu.memory_space<vmem>>, vector<16xf32>,
    tpu.vector_store %arg8[%swap3A_1166, %swap3A_1167], %gather3A_1164 {strides = array<i32>} : memref<16x128xf32, #tpu.memory_space<vmem>>, vector<16xf32>,
    %add3A_1169 = arith.constant 8 : i32
    %add3A_1170 = vector.broadcast %add3A_1169 : i32 to vector<16xi32>
    %add3A_1171 = arith.addi %add3A_1101, %add3A_1170 : vector<16xi32>
    %gather3A_1172 = tpu.vector_load_idx %arg7[%add3A_1104, %add3A_1171] : memref<128x128xf32, #tpu.memory_space<vmem>>[vector<16xi32>, vector<16xi32>], vector<16xf32>,
    %swap3A_1173 = arith.constant 8 : i32
    %swap3A_1174 = arith.index_cast %swap3A_1173 : i32 to index
    %swap3A_1175 = arith.constant 112 : index
    %swap3A_1176 = tpu.vector_load %arg8[%swap3A_1174, %swap3A_1175] {strides = array<i32>} : memref<16x128xf32, #tpu.memory_space<vmem>>, vector<16xf32>,
    tpu.vector_store %arg8[%swap3A_1174, %swap3A_1175], %gather3A_1172 {strides = array<i32>} : memref<16x128xf32, #tpu.memory_space<vmem>>, vector<16xf32>,
    %add3A_1177 = arith.constant 9 : i32
    %add3A_1178 = vector.broadcast %add3A_1177 : i32 to vector<16xi32>
    %add3A_1179 = arith.addi %add3A_1101, %add3A_1178 : vector<16xi32>
    %gather3A_1180 = tpu.vector_load_idx %arg7[%add3A_1104, %add3A_1179] : memref<128x128xf32, #tpu.memory_space<vmem>>[vector<16xi32>, vector<16xi32>], vector<16xf32>,
    %swap3A_1181 = arith.constant 9 : i32
    %swap3A_1182 = arith.index_cast %swap3A_1181 : i32 to index
    %swap3A_1183 = arith.constant 112 : index
    %swap3A_1184 = tpu.vector_load %arg8[%swap3A_1182, %swap3A_1183] {strides = array<i32>} : memref<16x128xf32, #tpu.memory_space<vmem>>, vector<16xf32>,
    tpu.vector_store %arg8[%swap3A_1182, %swap3A_1183], %gather3A_1180 {strides = array<i32>} : memref<16x128xf32, #tpu.memory_space<vmem>>, vector<16xf32>,
    %add3A_1185 = arith.constant 10 : i32
    %add3A_1186 = vector.broadcast %add3A_1185 : i32 to vector<16xi32>
    %add3A_1187 = arith.addi %add3A_1101, %add3A_1186 : vector<16xi32>
    %gather3A_1188 = tpu.vector_load_idx %arg7[%add3A_1104, %add3A_1187] : memref<128x128xf32, #tpu.memory_space<vmem>>[vector<16xi32>, vector<16xi32>], vector<16xf32>,
    %swap3A_1189 = arith.constant 10 : i32
    %swap3A_1190 = arith.index_cast %swap3A_1189 : i32 to index
    %swap3A_1191 = arith.constant 112 : index
    %swap3A_1192 = tpu.vector_load %arg8[%swap3A_1190, %swap3A_1191] {strides = array<i32>} : memref<16x128xf32, #tpu.memory_space<vmem>>, vector<16xf32>,
    tpu.vector_store %arg8[%swap3A_1190, %swap3A_1191], %gather3A_1188 {strides = array<i32>} : memref<16x128xf32, #tpu.memory_space<vmem>>, vector<16xf32>,
    %add3A_1193 = arith.constant 11 : i32
    %add3A_1194 = vector.broadcast %add3A_1193 : i32 to vector<16xi32>
    %add3A_1195 = arith.addi %add3A_1101, %add3A_1194 : vector<16xi32>
    %gather3A_1196 = tpu.vector_load_idx %arg7[%add3A_1104, %add3A_1195] : memref<128x128xf32, #tpu.memory_space<vmem>>[vector<16xi32>, vector<16xi32>], vector<16xf32>,
    %swap3A_1197 = arith.constant 11 : i32
    %swap3A_1198 = arith.index_cast %swap3A_1197 : i32 to index
    %swap3A_1199 = arith.constant 112 : index
    %swap3A_1200 = tpu.vector_load %arg8[%swap3A_1198, %swap3A_1199] {strides = array<i32>} : memref<16x128xf32, #tpu.memory_space<vmem>>, vector<16xf32>,
    tpu.vector_store %arg8[%swap3A_1198, %swap3A_1199], %gather3A_1196 {strides = array<i32>} : memref<16x128xf32, #tpu.memory_space<vmem>>, vector<16xf32>,
    %add3A_1201 = arith.constant 12 : i32
    %add3A_1202 = vector.broadcast %add3A_1201 : i32 to vector<16xi32>
    %add3A_1203 = arith.addi %add3A_1101, %add3A_1202 : vector<16xi32>
    %gather3A_1204 = tpu.vector_load_idx %arg7[%add3A_1104, %add3A_1203] : memref<128x128xf32, #tpu.memory_space<vmem>>[vector<16xi32>, vector<16xi32>], vector<16xf32>,
    %swap3A_1205 = arith.constant 12 : i32
    %swap3A_1206 = arith.index_cast %swap3A_1205 : i32 to index
    %swap3A_1207 = arith.constant 112 : index
    %swap3A_1208 = tpu.vector_load %arg8[%swap3A_1206, %swap3A_1207] {strides = array<i32>} : memref<16x128xf32, #tpu.memory_space<vmem>>, vector<16xf32>,
    tpu.vector_store %arg8[%swap3A_1206, %swap3A_1207], %gather3A_1204 {strides = array<i32>} : memref<16x128xf32, #tpu.memory_space<vmem>>, vector<16xf32>,
    %add3A_1209 = arith.constant 13 : i32
    %add3A_1210 = vector.broadcast %add3A_1209 : i32 to vector<16xi32>
    %add3A_1211 = arith.addi %add3A_1101, %add3A_1210 : vector<16xi32>
    %gather3A_1212 = tpu.vector_load_idx %arg7[%add3A_1104, %add3A_1211] : memref<128x128xf32, #tpu.memory_space<vmem>>[vector<16xi32>, vector<16xi32>], vector<16xf32>,
    %swap3A_1213 = arith.constant 13 : i32
    %swap3A_1214 = arith.index_cast %swap3A_1213 : i32 to index
    %swap3A_1215 = arith.constant 112 : index
    %swap3A_1216 = tpu.vector_load %arg8[%swap3A_1214, %swap3A_1215] {strides = array<i32>} : memref<16x128xf32, #tpu.memory_space<vmem>>, vector<16xf32>,
    tpu.vector_store %arg8[%swap3A_1214, %swap3A_1215], %gather3A_1212 {strides = array<i32>} : memref<16x128xf32, #tpu.memory_space<vmem>>, vector<16xf32>,
    %add3A_1217 = arith.constant 14 : i32
    %add3A_1218 = vector.broadcast %add3A_1217 : i32 to vector<16xi32>
    %add3A_1219 = arith.addi %add3A_1101, %add3A_1218 : vector<16xi32>
    %gather3A_1220 = tpu.vector_load_idx %arg7[%add3A_1104, %add3A_1219] : memref<128x128xf32, #tpu.memory_space<vmem>>[vector<16xi32>, vector<16xi32>], vector<16xf32>,
    %swap3A_1221 = arith.constant 14 : i32
    %swap3A_1222 = arith.index_cast %swap3A_1221 : i32 to index
    %swap3A_1223 = arith.constant 112 : index
    %swap3A_1224 = tpu.vector_load %arg8[%swap3A_1222, %swap3A_1223] {strides = array<i32>} : memref<16x128xf32, #tpu.memory_space<vmem>>, vector<16xf32>,
    tpu.vector_store %arg8[%swap3A_1222, %swap3A_1223], %gather3A_1220 {strides = array<i32>} : memref<16x128xf32, #tpu.memory_space<vmem>>, vector<16xf32>,
    %add3A_1225 = arith.constant 15 : i32
    %add3A_1226 = vector.broadcast %add3A_1225 : i32 to vector<16xi32>
    %add3A_1227 = arith.addi %add3A_1101, %add3A_1226 : vector<16xi32>
    %gather3A_1228 = tpu.vector_load_idx %arg7[%add3A_1104, %add3A_1227] : memref<128x128xf32, #tpu.memory_space<vmem>>[vector<16xi32>, vector<16xi32>], vector<16xf32>,
    %swap3A_1229 = arith.constant 15 : i32
    %swap3A_1230 = arith.index_cast %swap3A_1229 : i32 to index
    %swap3A_1231 = arith.constant 112 : index
    %swap3A_1232 = tpu.vector_load %arg8[%swap3A_1230, %swap3A_1231] {strides = array<i32>} : memref<16x128xf32, #tpu.memory_space<vmem>>, vector<16xf32>,
    tpu.vector_store %arg8[%swap3A_1230, %swap3A_1231], %gather3A_1228 {strides = array<i32>} : memref<16x128xf32, #tpu.memory_space<vmem>>, vector<16xf32>,
    %mul3A_1233 = arith.constant 16 : i32
    %mul3A_1234 = arith.muli %select_n3A_30, %mul3A_1233 : i32
    "tpu.region"() ({
      %run_scoped3A = tpu.sem_alloc : memref<!tpu.dma_semaphore, #tpu.memory_space<semaphore_mem>>
      %dma_start3A_1235 = tpu.memref_slice %arg4[%mul3A_1234, %mul3A_32] : memref<64x1024xf32, #tpu.memory_space<hbm>> -> memref<16x128xf32, #tpu.memory_space<hbm>>
      %dma_start3A_1236 = tpu.memref_slice %arg4[%mul3A_1234, %mul3A_32] : memref<64x1024xf32, #tpu.memory_space<hbm>> -> memref<16x128xf32, #tpu.memory_space<hbm>>
      tpu.enqueue_dma source(%arg8 : memref<16x128xf32, #tpu.memory_space<vmem>>) target(%dma_start3A_1236 : memref<16x128xf32, #tpu.memory_space<hbm>>) target_semaphore(%run_scoped3A : memref<!tpu.dma_semaphore, #tpu.memory_space<semaphore_mem>>)
      %dma_wait3A_1237 = tpu.memref_slice %arg4[%mul3A_1234, %mul3A_32] : memref<64x1024xf32, #tpu.memory_space<hbm>> -> memref<16x128xf32, #tpu.memory_space<hbm>>
      %dma_wait3A_1238 = tpu.memref_slice %arg4[%mul3A_1234, %mul3A_32] : memref<64x1024xf32, #tpu.memory_space<hbm>> -> memref<16x128xf32, #tpu.memory_space<hbm>>
      tpu.wait_dma2 semaphore(%run_scoped3A : memref<!tpu.dma_semaphore, #tpu.memory_space<semaphore_mem>>) src(%arg8 : memref<16x128xf32, #tpu.memory_space<vmem>>) dst(%dma_wait3A_1238 : memref<16x128xf32, #tpu.memory_space<hbm>>)
      tpu.yield
    }) : () -> ()
    return
  }
}

</mosaic_0001>

<sc_bundles>
// kernel: kernel.3.cloned.1.call-start
scs
__scs_entry_jumppad:
0x0: {  	(pc) =	sbr.rel $0x88, $3  }
0x1: {  	(tag) =	ssettag $0x0;
	lr =	simm.s32 $0x1  }
0x2: {  	[smem:$0x3F9F] =	sst lr;
	_ =	strace $0xD0000000  }
0x3: {  	_ = 	snop  }
0x4: {  	_ = 	snop  }
0x5: {  	_ = 	snop  }
0x6: {  	_ = 	snop  }
0x7: {  	_ = 	snop  }
__scs_overlays_trampoline_lowered:
0x8: {  	[smem:$0x3FAE] =	sst s0  }
0x9: {  	[smem:$0x3FAF] =	sst s1  }
0xa: {  	[smem:$0x3FB0] =	sst s2  }
0xb: {  	[smem:$0x3FB1] =	sst s3  }
0xc: {  	[smem:$0x3FB2] =	sst s4  }
0xd: {  	[smem:$0x3FB3] =	sst s5  }
0xe: {  	[smem:$0x3FB4] =	sst s6  }
0xf: {  	[smem:$0x3FB5] =	sst s7  }
0x10: {  	[smem:$0x3FB6] =	sst s8  }
0x11: {  	[smem:$0x3FB7] =	sst s9;
	s0 =	simm.s32 @!p0 $0x0  }
0x12: {  	s1 =	sld [smem:$0x3F9D];
	s0 =	simm.s32 @p0 $0x1  }
0x13: {  	[smem:$0x3FB8] =	sst s0;
	s0 =	simm.s32 @!p1 $0x0  }
0x14: {  	s2 =	sld [smem:$0x3F9C];
	s0 =	simm.s32 @p1 $0x1  }
0x15: {  	[smem:$0x3FB9] =	sst s0;
	s0 =	simm.s32 @!p2 $0x0  }
0x16: {  	s3 =	sld [smem:$0x3FDB];
	s0 =	simm.s32 @p2 $0x1  }
0x17: {  	s4 =	simm.s32 $0x1BF5;
	[smem:$0x3FBB] =	sst s0  }
0x18: {  	s0 =	sld [smem:$0x3F9E];
	_ =	swait.ge [sflag:s4], $0x0  }
0x19: {  	s7 =	sld [smem:$0x3F9F]  }
0x1a: {  	s8 =	sadd.s32 $0xFFFFE003, lr  }
0x1b: {  	s9 =	sadd.s32 $0xFFFFFEF7, lr;
	s5 =	simm.s32 $0xFFFFFFFF;
	p2 =	slt.u32 s8, $0xFFFFF086  }
0x1c: {  	p1 =	slt.u32 s9, $0xF7A;
	s5 =	simm.s32 @!p2 $0x0  }
0x1d: {  	s5 =	simm.s32 @p1 $0x1;
	p0 =	seq.s32 s7, s2  }
0x1e: {  	s7 =	smul.u32 @!p0 $0xF7A, s2;
	p2 =	seq.s32 @!p0 s5, $0x0  }
0x1f: {  	s9 =	smul.u32 $0xF7A, s1;
	s8 =	simm.s32 @!p0 $0x1BF5;
	p2 =	por !p2, p0  }
0x20: {  	[sflag:s8] =	ssyncset.s32 @!p0 $0xFFFFF086;
	s6 =	sadd.s32 @!p0 s3, s7;
	s7 =	simm.s32 @!p0 $0x108  }
0x21: {  	s3 =	sadd.s32 s3, s9;
	s6 =	sadd.s32 @!p0 $0x88, s6;
	s7 =	simm.s32 @p2 $0x1082  }
0x22: {  	[simem:s7], [sflag:s8] =	dma.local @!p0 [hbm:s6], $0xF7A  }
0x23: {  	s9 =	sor.u32 $0xD0000000, s2;
	s6 =	simm.s32 $0x108;
	_ =	swait.ge @!p0 [sflag:s8], $0x0  }
0x24: {  	s3 =	sadd.s32 $0x88, s3;
	s6 =	simm.s32 @!p1 $0x1082;
	[sflag:s4] =	ssyncset.s32 $0xFFFFF086  }
0x25: {  	[simem:s6], [sflag:s4] =	dma.local [hbm:s3], $0xF7A  }
0x26: {  	[smem:$0x3F9F] =	sst s1;
	(tag) =	ssettag s2;
	_ =	strace s9  }
0x27: {  	s1 =	sld [smem:$0x3FAF]  }
0x28: {  	s2 =	sld [smem:$0x3FB0]  }
0x29: {  	s4 =	sld [smem:$0x3FB2]  }
0x2a: {  	p0 =	seq.s32 s5, $0x0;
	s5 =	sld [smem:$0x3FB3]  }
0x2b: {  	s6 =	sld [smem:$0x3FB4]  }
0x2c: {  	s7 =	sld [smem:$0x3FB5]  }
0x2d: {  	s3 =	simm.s32 $0x108;
	s8 =	sld [smem:$0x3FB6]  }
0x2e: {  	s3 =	simm.s32 @!p0 $0x1082;
	s9 =	sld [smem:$0x3FB7]  }
0x2f: {  	lr =	sadd.s32 s0, s3;
	s0 =	sld [smem:$0x3FAE]  }
0x30: {  	s3 =	sld [smem:$0x3FB1]  }
0x31: {  	[smem:$0x3FBA] =	sst s10  }
0x32: {  	s10 =	sld [smem:$0x3FB8];
	_ =	sdelay $0x3  }
0x33: {  	p0 =	seq.s32 s10, $0x1;
	s10 =	sld [smem:$0x3FBA];
	_ =	sdelay $0x3  }
0x34: {  	[smem:$0x3FBA] =	sst s10  }
0x35: {  	s10 =	sld [smem:$0x3FB9];
	_ =	sdelay $0x3  }
0x36: {  	p1 =	seq.s32 s10, $0x1;
	s10 =	sld [smem:$0x3FBA];
	_ =	sdelay $0x3  }
0x37: {  	[smem:$0x3FBA] =	sst s10  }
0x38: {  	s10 =	sld [smem:$0x3FBB]  }
0x39: {  	_ = 	snop;
	(pc) =	sbr.ind lr, $3  }
0x3a: {  	_ = 	snop  }
0x3b: {  	_ = 	snop  }
0x3c: {  	p2 =	seq.s32 s10, $0x1;
	s10 =	sld [smem:$0x3FBA]  }
0x3d: {  	_ =	shalt  }
0x3e: {  	_ =	shalt  }
0x3f: {  	_ =	shalt  }
0x40: {  	_ =	shalt  }
0x41: {  	_ =	shalt  }
0x42: {  	_ =	shalt  }
0x43: {  	_ =	shalt  }
0x44: {  	_ =	shalt  }
0x45: {  	_ =	shalt  }
0x46: {  	_ =	shalt  }
0x47: {  	_ =	shalt  }
0x48: {  	_ =	shalt  }
0x49: {  	_ =	shalt  }
0x4a: {  	_ =	shalt  }
0x4b: {  	_ =	shalt  }
0x4c: {  	_ =	shalt  }
0x4d: {  	_ =	shalt  }
0x4e: {  	_ =	shalt  }
0x4f: {  	_ =	shalt  }
0x50: {  	_ =	shalt  }
0x51: {  	_ =	shalt  }
0x52: {  	_ =	shalt  }
0x53: {  	_ =	shalt  }
0x54: {  	_ =	shalt  }
0x55: {  	_ =	shalt  }
0x56: {  	_ =	shalt  }
0x57: {  	_ =	shalt  }
0x58: {  	_ =	shalt  }
0x59: {  	_ =	shalt  }
0x5a: {  	_ =	shalt  }
0x5b: {  	_ =	shalt  }
0x5c: {  	_ =	shalt  }
0x5d: {  	_ =	shalt  }
0x5e: {  	_ =	shalt  }
0x5f: {  	_ =	shalt  }
0x60: {  	_ =	shalt  }
0x61: {  	_ =	shalt  }
0x62: {  	_ =	shalt  }
0x63: {  	_ =	shalt  }
0x64: {  	_ =	shalt  }
0x65: {  	_ =	shalt  }
0x66: {  	_ =	shalt  }
0x67: {  	_ =	shalt  }
0x68: {  	_ =	shalt  }
0x69: {  	_ =	shalt  }
0x6a: {  	_ =	shalt  }
0x6b: {  	_ =	shalt  }
0x6c: {  	_ =	shalt  }
0x6d: {  	_ =	shalt  }
0x6e: {  	_ =	shalt  }
0x6f: {  	_ =	shalt  }
0x70: {  	_ =	shalt  }
0x71: {  	_ =	shalt  }
0x72: {  	_ =	shalt  }
0x73: {  	_ =	shalt  }
0x74: {  	_ =	shalt  }
0x75: {  	_ =	shalt  }
0x76: {  	_ =	shalt  }
0x77: {  	_ =	shalt  }
0x78: {  	_ =	shalt  }
0x79: {  	_ =	shalt  }
0x7a: {  	_ =	shalt  }
0x7b: {  	_ =	shalt  }
0x7c: {  	_ =	shalt  }
0x7d: {  	_ =	shalt  }
0x7e: {  	_ =	shalt  }
0x7f: {  	_ =	shalt  }
0x80: {  	_ =	shalt  }
0x81: {  	_ =	shalt  }
0x82: {  	_ =	shalt  }
0x83: {  	_ =	shalt  }
0x84: {  	_ =	shalt  }
0x85: {  	_ =	shalt  }
0x86: {  	_ =	shalt  }
0x87: {  	_ =	shalt  }
.Lfunc_end0:
.L_simem_size_0:
called_computation_lowered:
.L_overlay_start_0:
0x88: {  	s2 =	sld [smem:$0x3FD9]  }
0x89: {  	s3 =	sld [smem:$0x3FFE];
	_ =	sdelay $0x1  }
0x8a: {  	s1 =	srdreg.scid  }
0x8b: {  	s0 =	sand.u32 $0x1, s1  }
0x8c: {  	s17 =	sshll.u32 s0, $0xA;
	s2 =	sadd.s32 s3, s2  }
0x8d: {  	s2 =	sadd.s32 s2, s17  }
0x8e: {  	[smem:$0x3FC6] =	sst s2  }
0x8f: {  	_ = 	snop  }
0x90: {  	s2 =	sld [smem:$0x3FC9]  }
0x91: {  	s18 =	sld [smem:$0x3FD0];
	(tm) =	ssettm $0x1  }
0x92: {  	s4 =	sld [smem:$0x3FFB];
	_ =	sdelay $0x3  }
0x93: {  	_ =	strace s4  }
0x94: {  	s4 =	sld [smem:$0x3FFC];
	_ =	sdelay $0x3  }
0x95: {  	_ =	strace s4  }
0x96: {  	s4 =	sld [smem:$0x3FFD];
	_ =	sdelay $0x3  }
0x97: {  	_ =	strace s4  }
0x98: {  	_ =	strace $0x8FFFFFFF  }
0x99: {  	s19 =	sld [smem:$0x3FDB];
	_ =	sdelay $0x1  }
0x9a: {  	s5 =	simm.s32 $_scs_section_size  }
0x9b: {  	s6 =	simm.s32 $_size__tile_overlayer_lowered;
	s7 =	simm.s32 $_tile_overlayer_lowered  }
0x9c: {  	s22 =	simm.s32 $0x1BFF;
	s21 =	sshll.u32 s7, $0x1;
	s4 =	sadd.s32 s5, s19  }
0x9d: {  	s8 =	simm.s32 $0x0;
	s20 =	sshll.u32 s6, $0x1;
	s6 =	sadd.s32 s21, s4  }
0x9e: {  	[timem:s8], [sflag:s22] =	dma.local [hbm:s6], s20  }
0x9f: {  	_ =	swait.ge [sflag:s22], s20  }
0xa0: {  	s5 =	ssub.s32 $0x0, s20;
	[sflag:s22] =	ssyncset.done $0x0  }
0xa1: {  	[sflag:s22] =	ssyncadd.s32 s5;
	_ =	sdelay $0x1  }
0xa2: {  	s23 =	simm.s32 $0x1B8B  }
0xa3: {  	_ =	swait.ge [sflag:s23], $0x1  }
0xa4: {  	[sflag:s23] =	ssyncset.done $0x0  }
0xa5: {  	s25 =	simm.s32 $0x1B8E;
	s24 =	sld [smem:$0x3FFE];
	[sflag:s23] =	ssyncadd.s32 $0xFFFFFFFF  }
0xa6: {  	s26 =	simm.s32 $execute0_lowered;
	[smem:$0x3FD2] =	sst s25  }
0xa7: {  	s6 =	sshll.u32 s26, $0x1;
	_ =	strace $0x80000046;
	[dreg:$0x1] =	wrdreg $0xFFFFFFFF  }
0xa8: {  	s28 =	simm.s32 $_size_execute0_lowered;
	s4 =	sadd.s32 s4, s6;
	[dreg:$0x0] =	wrdreg $0x0  }
0xa9: {  	s6 =	sshll.u32 s28, $0x1;
	[dreg:$0x2] =	wrdreg s4  }
0xaa: {  	[dreg:$0x3] =	wrdreg s6  }
0xab: {  	[dreg:$0x4] =	wrdreg $0xC0  }
0xac: {  	_ =	task [dreg:s8], $0x5FFFF  }
0xad: {  	[dreg:$0x1] =	wrdreg $0xFFFFFFFF  }
0xae: {  	[dreg:$0x0] =	wrdreg $0x60  }
0xaf: {  	[dreg:$0x2] =	wrdreg s2  }
0xb0: {  	[dreg:$0x3] =	wrdreg s24  }
0xb1: {  	[dreg:$0x4] =	wrdreg s18  }
0xb2: {  	[dreg:$0x5] =	wrdreg $0x9  }
0xb3: {  	_ =	task.clear_ibuf [dreg:s8], $0x6FFFF;
	_ =	strace $0x90000046  }
0xb4: {  	s29 =	simm.s32 $0x9;
	_ =	strace $0x80000048  }
0xb5: {  	_ =	swait.ge [sflag:s29], $0x1  }
0xb6: {  	[sflag:s29] =	ssyncadd.s32 $0xFFFFFFFF  }
0xb7: {  	_ =	strace $0x90000048  }
0xb8: {  	_ =	sfence  }
0xb9: {  	s30 =	sld [smem:$0x0];
	_ =	sdelay $0x2  }
0xba: {  	s31 =	sshll.u32 s1, $0xD;
	s1 =	sshrl.u32 s1, $0x2  }
0xbb: {  	s3 =	sand.u32 $0x4000, s31;
	s1 =	sadd.s32 s1, s30  }
0xbc: {  	s0 =	sor.u32 s3, s0;
	s1 =	sshll.u32 s1, $0x11  }
0xbd: {  	s0 =	sor.u32 s1, s0  }
0xbe: {  	s0 =	sadd.s32 $0x8F2B, s0  }
0xbf: {  	[sflag:s0] =	ssyncadd.remote.s32 $0x1  }
0xc0: {  	_ =	sfence.sel $0xFFFF  }
0xc1: {  	[dreg:$0x0] =	wrdreg $0xFFFFFFFF;
	(pc) =	sbr.abs _section_cstart, $3  }
0xc2: {  	[dreg:$0x1] =	wrdreg $0xFFFFFFFF  }
0xc3: {  	_ =	task.clear_ibuf [dreg:s8], $0x2FFFF;
	_ =	strace $0x9FFFFFFF  }
0xc4: {  	(tm) =	ssettm $0x7FFFFFFF  }
0xc5: {  	_ =	shalt  }
tec
execute0_lowered:
.L_overlay_start_1:
0x0: {  	(tag) =	ssettag $0x1  }
0x1: {  	v0 =	vlaneseq.u32  }
0x2: {  	v0 =	vmul.u32 $0x80, v0;
	_ =	sdelay $0x1  }
0x3: {  	v2 =	vor.u32 $0x1, v0;
	v8 =	vor.u32 $0x7, v0;
	v9 =	vor.u32 $0x8, v0  }
0x4: {  	v10 =	vor.u32 $0x9, v0;
	v11 =	vor.u32 $0xA, v0;
	v12 =	vor.u32 $0xB, v0  }
0x5: {  	v13 =	vor.u32 $0xC, v0;
	v14 =	vor.u32 $0xD, v0;
	v15 =	vor.u32 $0xE, v0  }
0x6: {  	v16 =	vor.u32 $0xF, v0;
	v17 =	vor.u32 $0x800, v0;
	v18 =	vor.u32 $0x801, v0  }
0x7: {  	v19 =	vor.u32 $0x802, v0;
	v20 =	vor.u32 $0x803, v0;
	v21 =	vor.u32 $0x804, v0  }
0x8: {  	v22 =	vor.u32 $0x805, v0;
	v23 =	vor.u32 $0x806, v0;
	v24 =	vor.u32 $0x807, v0  }
0x9: {  	v25 =	vor.u32 $0x808, v0;
	v26 =	vor.u32 $0x809, v0;
	v27 =	vor.u32 $0x80A, v0  }
0xa: {  	v28 =	vor.u32 $0x80B, v0;
	v29 =	vor.u32 $0x80C, v0;
	v30 =	vor.u32 $0x80D, v0  }
0xb: {  	v31 =	vor.u32 $0x80E, v0;
	v32 =	vor.u32 $0x80F, v0;
	v33 =	vor.u32 $0x1000, v0  }
0xc: {  	s6 =	rddreg [dreg:$0x0];
	v34 =	vor.u32 $0x1001, v0;
	v35 =	vor.u32 $0x1002, v0;
	v36 =	vor.u32 $0x1003, v0  }
0xd: {  	s0 =	stileid.u32;
	s3 =	rddreg [dreg:$0x1];
	v37 =	vor.u32 $0x1004, v0;
	v38 =	vor.u32 $0x1005, v0;
	v39 =	vor.u32 $0x1006, v0  }
0xe: {  	s1 =	srdreg.scid;
	s7 =	rddreg [dreg:$0x2];
	v40 =	vor.u32 $0x1007, v0;
	v41 =	vor.u32 $0x1008, v0;
	v42 =	vor.u32 $0x1009, v0  }
0xf: {  	s11 =	simm.s32 $0x400;
	s12 =	simm.s32 $0x2000;
	s13 =	simm.s32 $0x4100;
	v43 =	vor.u32 $0x100A, v0;
	v44 =	vor.u32 $0x100B, v0;
	v45 =	vor.u32 $0x100C, v0  }
0x10: {  	s2 =	sshll.u32 s0, $0x1;
	s4 =	sand.u32 $0x1, s1;
	s3 =	sadd.s32 $0x186E00, s3;
	v46 =	vor.u32 $0x100D, v0;
	v47 =	vor.u32 $0x100E, v0;
	v48 =	vor.u32 $0x100F, v0  }
0x11: {  	s8 =	sshrl.u32 s0, $0x1;
	s30 =	sand.u32 $0x2, s2;
	s2 =	simm.s32 $0x0;
	v49 =	vor.u32 $0x1800, v0;
	v50 =	vor.u32 $0x1801, v0;
	[tilespmem:$0x1FFA0] =	vst v2;
	v2 =	vor.u32 $0x2, v0  }
0x12: {  	s10 =	sshll.u32 s8, $0x4;
	s1 =	sor.u32 s4, s30;
	s4 =	ssub.s32 $0x2, s4;
	v51 =	vor.u32 $0x1802, v0;
	v52 =	vor.u32 $0x1803, v0;
	[tilespmem:$0x1FFB0] =	vst v2;
	v2 =	vor.u32 $0x3, v0  }
0x13: {  	[smem:$0x7FF] =	sst s2;
	v53 =	vor.u32 $0x1804, v0;
	v54 =	vor.u32 $0x1805, v0;
	s5 =	sshll.u32 s1, $0x4;
	s9 =	sshrl.u32 s4, $0x1;
	[tilespmem:$0x1FFC0] =	vst v2;
	v2 =	vor.u32 $0x4, v0  }
0x14: {  	v55 =	vor.u32 $0x1806, v0;
	s1 =	rddreg [dreg:$0x3];
	v1 =	vmov s5;
	s5 =	sor.u32 s8, s5;
	s31 =	ssub.s32 s4, s9;
	[tilespmem:$0x1FFD0] =	vst v2;
	v2 =	vor.u32 $0x5, v0  }
0x15: {  	v56 =	vor.u32 $0x1807, v0;
	v57 =	vor.u32 $0x1808, v0;
	s4 =	sadd.s32 s6, s10;
	s8 =	simm.s32 $0x80;
	s9 =	simm.s32 $0x100;
	[tilespmem:$0x1FFE0] =	vst v2;
	v2 =	vor.u32 $0x6, v0  }
0x16: {  	v58 =	vor.u32 $0x1809, v0;
	v59 =	vor.u32 $0x180A, v0;
	v60 =	vor.u32 $0x180B, v0;
	s10 =	simm.s32 $0x1;
	s5 =	sshll.u32 s5, $0x7;
	s6 =	smax.u32 s31, $0x1;
	[tilespmem:$0x1FFF0] =	vst v2  }
0x17: {  	v61 =	vor.u32 $0x180C, v0;
	v62 =	vor.u32 $0x180D, v0;
	v63 =	vor.u32 $0x180E, v0;
	s5 =	sadd.s32 s7, s5;
	s7 =	simm.s32 $0x2;
	_ =	strace $0x80000047  }
.LBB2_1:
0x18: {  	[tilespmem:s2], [sflag:$0x2] =	stream.linear.gather [hbm4b:s4+s2], $0x80, $0x38;
	[tilespmem:$0x4900] =	vst v63  }
0x19: {  	_ =	swait.ge [sflag:s7], $0x80  }
0x1a: {  	[sflag:s7] =	ssyncset.done $0x0  }
0x1b: {  	[sflag:s7] =	ssyncadd.s32 $0xFFFFFF80  }
0x1c: {  	v2 =	vld [tilespmem:$0x0]  }
0x1d: {  	v3 =	vld [tilespmem:$0x10]  }
0x1e: {  	v4 =	vld [tilespmem:$0x20]  }
0x1f: {  	v5 =	vld [tilespmem:$0x30]  }
0x20: {  	v6 =	vld [tilespmem:$0x40]  }
0x21: {  	v7 =	vld [tilespmem:$0x50];
	v2 =	vshra.s32 v2, $0x1  }
0x22: {  	[tilespmem:$0x80] =	vst v2;
	v2 =	vshra.s32 v3, $0x1;
	v3 =	vld [tilespmem:$0x60]  }
0x23: {  	[tilespmem:$0x90] =	vst v2;
	v2 =	vshra.s32 v4, $0x1;
	v4 =	vld [tilespmem:$0x70]  }
0x24: {  	[tilespmem:$0xA0] =	vst v2;
	v2 =	vshra.s32 v5, $0x1  }
0x25: {  	[tilespmem:$0xB0] =	vst v2;
	v2 =	vshra.s32 v6, $0x1  }
0x26: {  	[tilespmem:$0xC0] =	vst v2;
	v2 =	vshra.s32 v7, $0x1  }
0x27: {  	[tilespmem:$0xD0] =	vst v2;
	v2 =	vshra.s32 v3, $0x1  }
0x28: {  	[tilespmem:$0xE0] =	vst v2;
	v2 =	vshra.s32 v4, $0x1  }
0x29: {  	[tilespmem:$0xF0] =	vst v2  }
0x2a: {  	[tilespmem:s9], [sflag:$0x1] =	stream.indirect.gather [hbm4b:s3+s8], $0x80, s8, s8, $0xb8;
	[tilespmem:$0x4900] =	vst v63  }
0x2b: {  	_ =	swait.ge [sflag:s10], $0x4000  }
0x2c: {  	[sflag:s10] =	ssyncset.done $0x0  }
0x2d: {  	[sflag:s10] =	ssyncadd.s32 $0xFFFFC000  }
0x2e: {  	v2 =	vld [tilespmem:$0x0];
	_ =	sdelay $0x4  }
0x2f: {  	v2 =	vshll.u32 v2, $0x6  }
0x30: {  	v2 =	vand.u32 $0x40, v2  }
0x31: {  	v2 =	vor.u32 v1, v2  }
0x32: {  	v3 =	vor.u32 v0, v2  }
0x33: {  	v4 =	vld [tilespmem:$0x1FFA0];
	_ =	sdelay $0x3  }
0x34: {  	v3 =	vld.idx.msk [tilespmem:v3+s9+$0x0], $0xffff  }
0x35: {  	v4 =	vor.u32 v4, v2;
	_ =	sdelay $0x3  }
0x36: {  	[tilespmem:$0x4100] =	vst v3  }
0x37: {  	v3 =	vld.idx.msk [tilespmem:v4+s9+$0x0], $0xffff  }
0x38: {  	v4 =	vld [tilespmem:$0x1FFB0];
	_ =	sdelay $0x4  }
0x39: {  	v4 =	vor.u32 v4, v2;
	_ =	sdelay $0x3  }
0x3a: {  	[tilespmem:$0x4180] =	vst v3  }
0x3b: {  	v3 =	vld.idx.msk [tilespmem:v4+s9+$0x0], $0xffff  }
0x3c: {  	v4 =	vld [tilespmem:$0x1FFC0];
	_ =	sdelay $0x4  }
0x3d: {  	v4 =	vor.u32 v4, v2;
	_ =	sdelay $0x3  }
0x3e: {  	[tilespmem:$0x4200] =	vst v3  }
0x3f: {  	v3 =	vld.idx.msk [tilespmem:v4+s9+$0x0], $0xffff  }
0x40: {  	v4 =	vld [tilespmem:$0x1FFD0];
	_ =	sdelay $0x4  }
0x41: {  	v4 =	vor.u32 v4, v2;
	_ =	sdelay $0x3  }
0x42: {  	[tilespmem:$0x4280] =	vst v3  }
0x43: {  	v3 =	vld.idx.msk [tilespmem:v4+s9+$0x0], $0xffff  }
0x44: {  	v4 =	vld [tilespmem:$0x1FFE0];
	_ =	sdelay $0x4  }
0x45: {  	v4 =	vor.u32 v4, v2;
	_ =	sdelay $0x3  }
0x46: {  	[tilespmem:$0x4300] =	vst v3  }
0x47: {  	v3 =	vld.idx.msk [tilespmem:v4+s9+$0x0], $0xffff  }
0x48: {  	v4 =	vld [tilespmem:$0x1FFF0];
	_ =	sdelay $0x4  }
0x49: {  	v4 =	vor.u32 v4, v2;
	_ =	sdelay $0x3  }
0x4a: {  	[tilespmem:$0x4380] =	vst v3  }
0x4b: {  	v3 =	vld.idx.msk [tilespmem:v4+s9+$0x0], $0xffff  }
0x4c: {  	v4 =	vor.u32 v8, v2;
	_ =	sdelay $0x3  }
0x4d: {  	[tilespmem:$0x4400] =	vst v3  }
0x4e: {  	v3 =	vld.idx.msk [tilespmem:v4+s9+$0x0], $0xffff  }
0x4f: {  	v4 =	vor.u32 v9, v2;
	_ =	sdelay $0x3  }
0x50: {  	[tilespmem:$0x4480] =	vst v3  }
0x51: {  	v3 =	vld.idx.msk [tilespmem:v4+s9+$0x0], $0xffff  }
0x52: {  	v4 =	vor.u32 v10, v2;
	_ =	sdelay $0x3  }
0x53: {  	[tilespmem:$0x4500] =	vst v3  }
0x54: {  	v3 =	vld.idx.msk [tilespmem:v4+s9+$0x0], $0xffff  }
0x55: {  	v4 =	vor.u32 v11, v2;
	_ =	sdelay $0x3  }
0x56: {  	[tilespmem:$0x4580] =	vst v3  }
0x57: {  	v3 =	vld.idx.msk [tilespmem:v4+s9+$0x0], $0xffff  }
0x58: {  	v4 =	vor.u32 v12, v2;
	_ =	sdelay $0x3  }
0x59: {  	[tilespmem:$0x4600] =	vst v3  }
0x5a: {  	v3 =	vld.idx.msk [tilespmem:v4+s9+$0x0], $0xffff  }
0x5b: {  	v4 =	vor.u32 v13, v2;
	_ =	sdelay $0x3  }
0x5c: {  	[tilespmem:$0x4680] =	vst v3  }
0x5d: {  	v3 =	vld.idx.msk [tilespmem:v4+s9+$0x0], $0xffff  }
0x5e: {  	v4 =	vor.u32 v14, v2;
	_ =	sdelay $0x3  }
0x5f: {  	[tilespmem:$0x4700] =	vst v3  }
0x60: {  	v3 =	vld.idx.msk [tilespmem:v4+s9+$0x0], $0xffff  }
0x61: {  	v4 =	vor.u32 v15, v2;
	_ =	sdelay $0x3  }
0x62: {  	[tilespmem:$0x4780] =	vst v3;
	v3 =	vld [tilespmem:$0x10]  }
0x63: {  	v4 =	vld.idx.msk [tilespmem:v4+s9+$0x0], $0xffff  }
0x64: {  	v2 =	vor.u32 v16, v2;
	_ =	sdelay $0x2  }
0x65: {  	v3 =	vshll.u32 v3, $0x6  }
0x66: {  	[tilespmem:$0x4800] =	vst v4;
	v3 =	vand.u32 $0x40, v3  }
0x67: {  	v2 =	vld.idx.msk [tilespmem:v2+s9+$0x0], $0xffff;
	v3 =	vor.u32 v1, v3  }
0x68: {  	v4 =	vor.u32 v17, v3;
	_ =	sdelay $0x3  }
0x69: {  	[tilespmem:$0x4880] =	vst v2  }
0x6a: {  	v2 =	vld.idx.msk [tilespmem:v4+s9+$0x0], $0xffff  }
0x6b: {  	v4 =	vor.u32 v18, v3;
	_ =	sdelay $0x3  }
0x6c: {  	[tilespmem:$0x4110] =	vst v2  }
0x6d: {  	v2 =	vld.idx.msk [tilespmem:v4+s9+$0x0], $0xffff  }
0x6e: {  	v4 =	vor.u32 v19, v3;
	_ =	sdelay $0x3  }
0x6f: {  	[tilespmem:$0x4190] =	vst v2  }
0x70: {  	v2 =	vld.idx.msk [tilespmem:v4+s9+$0x0], $0xffff  }
0x71: {  	v4 =	vor.u32 v20, v3;
	_ =	sdelay $0x3  }
0x72: {  	[tilespmem:$0x4210] =	vst v2  }
0x73: {  	v2 =	vld.idx.msk [tilespmem:v4+s9+$0x0], $0xffff  }
0x74: {  	v4 =	vor.u32 v21, v3;
	_ =	sdelay $0x3  }
0x75: {  	[tilespmem:$0x4290] =	vst v2  }
0x76: {  	v2 =	vld.idx.msk [tilespmem:v4+s9+$0x0], $0xffff  }
0x77: {  	v4 =	vor.u32 v22, v3;
	_ =	sdelay $0x3  }
0x78: {  	[tilespmem:$0x4310] =	vst v2  }
0x79: {  	v2 =	vld.idx.msk [tilespmem:v4+s9+$0x0], $0xffff  }
0x7a: {  	v4 =	vor.u32 v23, v3;
	_ =	sdelay $0x3  }
0x7b: {  	[tilespmem:$0x4390] =	vst v2  }
0x7c: {  	v2 =	vld.idx.msk [tilespmem:v4+s9+$0x0], $0xffff  }
0x7d: {  	v4 =	vor.u32 v24, v3;
	_ =	sdelay $0x3  }
0x7e: {  	[tilespmem:$0x4410] =	vst v2  }
0x7f: {  	v2 =	vld.idx.msk [tilespmem:v4+s9+$0x0], $0xffff  }
0x80: {  	v4 =	vor.u32 v25, v3;
	_ =	sdelay $0x3  }
0x81: {  	[tilespmem:$0x4490] =	vst v2  }
0x82: {  	v2 =	vld.idx.msk [tilespmem:v4+s9+$0x0], $0xffff  }
0x83: {  	v4 =	vor.u32 v26, v3;
	_ =	sdelay $0x3  }
0x84: {  	[tilespmem:$0x4510] =	vst v2  }
0x85: {  	v2 =	vld.idx.msk [tilespmem:v4+s9+$0x0], $0xffff  }
0x86: {  	v4 =	vor.u32 v27, v3;
	_ =	sdelay $0x3  }
0x87: {  	[tilespmem:$0x4590] =	vst v2  }
0x88: {  	v2 =	vld.idx.msk [tilespmem:v4+s9+$0x0], $0xffff  }
0x89: {  	v4 =	vor.u32 v28, v3;
	_ =	sdelay $0x3  }
0x8a: {  	[tilespmem:$0x4610] =	vst v2  }
0x8b: {  	v2 =	vld.idx.msk [tilespmem:v4+s9+$0x0], $0xffff  }
0x8c: {  	v4 =	vor.u32 v29, v3;
	_ =	sdelay $0x3  }
0x8d: {  	[tilespmem:$0x4690] =	vst v2  }
0x8e: {  	v2 =	vld.idx.msk [tilespmem:v4+s9+$0x0], $0xffff  }
0x8f: {  	v4 =	vor.u32 v30, v3;
	_ =	sdelay $0x3  }
0x90: {  	[tilespmem:$0x4710] =	vst v2  }
0x91: {  	v2 =	vld.idx.msk [tilespmem:v4+s9+$0x0], $0xffff  }
0x92: {  	v4 =	vor.u32 v31, v3;
	_ =	sdelay $0x3  }
0x93: {  	[tilespmem:$0x4790] =	vst v2;
	v2 =	vld [tilespmem:$0x20]  }
0x94: {  	v4 =	vld.idx.msk [tilespmem:v4+s9+$0x0], $0xffff  }
0x95: {  	v3 =	vor.u32 v32, v3;
	_ =	sdelay $0x2  }
0x96: {  	v2 =	vshll.u32 v2, $0x6  }
0x97: {  	[tilespmem:$0x4810] =	vst v4;
	v2 =	vand.u32 $0x40, v2  }
0x98: {  	v3 =	vld.idx.msk [tilespmem:v3+s9+$0x0], $0xffff;
	v2 =	vor.u32 v1, v2  }
0x99: {  	v4 =	vor.u32 v33, v2;
	_ =	sdelay $0x3  }
0x9a: {  	[tilespmem:$0x4890] =	vst v3  }
0x9b: {  	v3 =	vld.idx.msk [tilespmem:v4+s9+$0x0], $0xffff  }
0x9c: {  	v4 =	vor.u32 v34, v2;
	_ =	sdelay $0x3  }
0x9d: {  	[tilespmem:$0x4120] =	vst v3  }
0x9e: {  	v3 =	vld.idx.msk [tilespmem:v4+s9+$0x0], $0xffff  }
0x9f: {  	v4 =	vor.u32 v35, v2;
	_ =	sdelay $0x3  }
0xa0: {  	[tilespmem:$0x41A0] =	vst v3  }
0xa1: {  	v3 =	vld.idx.msk [tilespmem:v4+s9+$0x0], $0xffff  }
0xa2: {  	v4 =	vor.u32 v36, v2;
	_ =	sdelay $0x3  }
0xa3: {  	[tilespmem:$0x4220] =	vst v3  }
0xa4: {  	v3 =	vld.idx.msk [tilespmem:v4+s9+$0x0], $0xffff  }
0xa5: {  	v4 =	vor.u32 v37, v2;
	_ =	sdelay $0x3  }
0xa6: {  	[tilespmem:$0x42A0] =	vst v3  }
0xa7: {  	v3 =	vld.idx.msk [tilespmem:v4+s9+$0x0], $0xffff  }
0xa8: {  	v4 =	vor.u32 v38, v2;
	_ =	sdelay $0x3  }
0xa9: {  	[tilespmem:$0x4320] =	vst v3  }
0xaa: {  	v3 =	vld.idx.msk [tilespmem:v4+s9+$0x0], $0xffff  }
0xab: {  	v4 =	vor.u32 v39, v2;
	_ =	sdelay $0x3  }
0xac: {  	[tilespmem:$0x43A0] =	vst v3  }
0xad: {  	v3 =	vld.idx.msk [tilespmem:v4+s9+$0x0], $0xffff  }
0xae: {  	v4 =	vor.u32 v40, v2;
	_ =	sdelay $0x3  }
0xaf: {  	[tilespmem:$0x4420] =	vst v3  }
0xb0: {  	v3 =	vld.idx.msk [tilespmem:v4+s9+$0x0], $0xffff  }
0xb1: {  	v4 =	vor.u32 v41, v2;
	_ =	sdelay $0x3  }
0xb2: {  	[tilespmem:$0x44A0] =	vst v3  }
0xb3: {  	v3 =	vld.idx.msk [tilespmem:v4+s9+$0x0], $0xffff  }
0xb4: {  	v4 =	vor.u32 v42, v2;
	_ =	sdelay $0x3  }
0xb5: {  	[tilespmem:$0x4520] =	vst v3  }
0xb6: {  	v3 =	vld.idx.msk [tilespmem:v4+s9+$0x0], $0xffff  }
0xb7: {  	v4 =	vor.u32 v43, v2;
	_ =	sdelay $0x3  }
0xb8: {  	[tilespmem:$0x45A0] =	vst v3  }
0xb9: {  	v3 =	vld.idx.msk [tilespmem:v4+s9+$0x0], $0xffff  }
0xba: {  	v4 =	vor.u32 v44, v2;
	_ =	sdelay $0x3  }
0xbb: {  	[tilespmem:$0x4620] =	vst v3  }
0xbc: {  	v3 =	vld.idx.msk [tilespmem:v4+s9+$0x0], $0xffff  }
0xbd: {  	v4 =	vor.u32 v45, v2;
	_ =	sdelay $0x3  }
0xbe: {  	[tilespmem:$0x46A0] =	vst v3  }
0xbf: {  	v3 =	vld.idx.msk [tilespmem:v4+s9+$0x0], $0xffff  }
0xc0: {  	v4 =	vor.u32 v46, v2;
	_ =	sdelay $0x3  }
0xc1: {  	[tilespmem:$0x4720] =	vst v3  }
0xc2: {  	v3 =	vld.idx.msk [tilespmem:v4+s9+$0x0], $0xffff  }
0xc3: {  	v4 =	vor.u32 v47, v2;
	_ =	sdelay $0x3  }
0xc4: {  	[tilespmem:$0x47A0] =	vst v3;
	v3 =	vld [tilespmem:$0x30]  }
0xc5: {  	v4 =	vld.idx.msk [tilespmem:v4+s9+$0x0], $0xffff  }
0xc6: {  	v2 =	vor.u32 v48, v2;
	_ =	sdelay $0x2  }
0xc7: {  	v3 =	vshll.u32 v3, $0x6  }
0xc8: {  	[tilespmem:$0x4820] =	vst v4;
	v3 =	vand.u32 $0x40, v3  }
0xc9: {  	v2 =	vld.idx.msk [tilespmem:v2+s9+$0x0], $0xffff;
	v3 =	vor.u32 v1, v3  }
0xca: {  	v4 =	vor.u32 v49, v3;
	_ =	sdelay $0x3  }
0xcb: {  	[tilespmem:$0x48A0] =	vst v2  }
0xcc: {  	v2 =	vld.idx.msk [tilespmem:v4+s9+$0x0], $0xffff  }
0xcd: {  	v4 =	vor.u32 v50, v3;
	_ =	sdelay $0x3  }
0xce: {  	[tilespmem:$0x4130] =	vst v2  }
0xcf: {  	v2 =	vld.idx.msk [tilespmem:v4+s9+$0x0], $0xffff  }
0xd0: {  	v4 =	vor.u32 v51, v3;
	_ =	sdelay $0x3  }
0xd1: {  	[tilespmem:$0x41B0] =	vst v2  }
0xd2: {  	v2 =	vld.idx.msk [tilespmem:v4+s9+$0x0], $0xffff  }
0xd3: {  	v4 =	vor.u32 v52, v3;
	_ =	sdelay $0x3  }
0xd4: {  	[tilespmem:$0x4230] =	vst v2  }
0xd5: {  	v2 =	vld.idx.msk [tilespmem:v4+s9+$0x0], $0xffff  }
0xd6: {  	v4 =	vor.u32 v53, v3;
	_ =	sdelay $0x3  }
0xd7: {  	[tilespmem:$0x42B0] =	vst v2  }
0xd8: {  	v2 =	vld.idx.msk [tilespmem:v4+s9+$0x0], $0xffff  }
0xd9: {  	v4 =	vor.u32 v54, v3;
	_ =	sdelay $0x3  }
0xda: {  	[tilespmem:$0x4330] =	vst v2  }
0xdb: {  	v2 =	vld.idx.msk [tilespmem:v4+s9+$0x0], $0xffff  }
0xdc: {  	v4 =	vor.u32 v55, v3;
	_ =	sdelay $0x3  }
0xdd: {  	[tilespmem:$0x43B0] =	vst v2  }
0xde: {  	v2 =	vld.idx.msk [tilespmem:v4+s9+$0x0], $0xffff  }
0xdf: {  	v4 =	vor.u32 v56, v3;
	_ =	sdelay $0x3  }
0xe0: {  	[tilespmem:$0x4430] =	vst v2  }
0xe1: {  	v2 =	vld.idx.msk [tilespmem:v4+s9+$0x0], $0xffff  }
0xe2: {  	v4 =	vor.u32 v57, v3;
	_ =	sdelay $0x3  }
0xe3: {  	[tilespmem:$0x44B0] =	vst v2  }
0xe4: {  	v2 =	vld.idx.msk [tilespmem:v4+s9+$0x0], $0xffff  }
0xe5: {  	v4 =	vor.u32 v58, v3;
	_ =	sdelay $0x3  }
0xe6: {  	[tilespmem:$0x4530] =	vst v2  }
0xe7: {  	v2 =	vld.idx.msk [tilespmem:v4+s9+$0x0], $0xffff  }
0xe8: {  	v4 =	vor.u32 v59, v3;
	_ =	sdelay $0x3  }
0xe9: {  	[tilespmem:$0x45B0] =	vst v2  }
0xea: {  	v2 =	vld.idx.msk [tilespmem:v4+s9+$0x0], $0xffff  }
0xeb: {  	v4 =	vor.u32 v60, v3;
	_ =	sdelay $0x3  }
0xec: {  	[tilespmem:$0x4630] =	vst v2  }
0xed: {  	v2 =	vld.idx.msk [tilespmem:v4+s9+$0x0], $0xffff  }
0xee: {  	v4 =	vor.u32 v61, v3;
	_ =	sdelay $0x3  }
0xef: {  	[tilespmem:$0x46B0] =	vst v2  }
0xf0: {  	v2 =	vld.idx.msk [tilespmem:v4+s9+$0x0], $0xffff  }
0xf1: {  	v4 =	vor.u32 v62, v3;
	_ =	sdelay $0x3  }
0xf2: {  	[tilespmem:$0x4730] =	vst v2  }
0xf3: {  	v2 =	vld.idx.msk [tilespmem:v4+s9+$0x0], $0xffff  }
0xf4: {  	v4 =	vor.u32 v63, v3;
	_ =	sdelay $0x3  }
0xf5: {  	[tilespmem:$0x47B0] =	vst v2;
	v2 =	vld [tilespmem:$0x40]  }
0xf6: {  	v5 =	vor.u32 $0x180F, v0;
	v4 =	vld.idx.msk [tilespmem:v4+s9+$0x0], $0xffff  }
0xf7: {  	v3 =	vor.u32 v5, v3;
	_ =	sdelay $0x2  }
0xf8: {  	v2 =	vshll.u32 v2, $0x6  }
0xf9: {  	[tilespmem:$0x4830] =	vst v4;
	v2 =	vand.u32 $0x40, v2  }
0xfa: {  	v4 =	vor.u32 $0x2000, v0;
	v3 =	vld.idx.msk [tilespmem:v3+s9+$0x0], $0xffff;
	v2 =	vor.u32 v1, v2  }
0xfb: {  	v4 =	vor.u32 v4, v2;
	_ =	sdelay $0x3  }
0xfc: {  	[tilespmem:$0x48B0] =	vst v3  }
0xfd: {  	v3 =	vld.idx.msk [tilespmem:v4+s9+$0x0], $0xffff;
	v4 =	vor.u32 $0x2001, v0  }
0xfe: {  	v4 =	vor.u32 v4, v2;
	_ =	sdelay $0x3  }
0xff: {  	[tilespmem:$0x4140] =	vst v3  }
0x100: {  	v3 =	vld.idx.msk [tilespmem:v4+s9+$0x0], $0xffff;
	v4 =	vor.u32 $0x2002, v0  }
0x101: {  	v4 =	vor.u32 v4, v2;
	_ =	sdelay $0x3  }
0x102: {  	[tilespmem:$0x41C0] =	vst v3  }
0x103: {  	v3 =	vld.idx.msk [tilespmem:v4+s9+$0x0], $0xffff;
	v4 =	vor.u32 $0x2003, v0  }
0x104: {  	v4 =	vor.u32 v4, v2;
	_ =	sdelay $0x3  }
0x105: {  	[tilespmem:$0x4240] =	vst v3  }
0x106: {  	v3 =	vld.idx.msk [tilespmem:v4+s9+$0x0], $0xffff;
	v4 =	vor.u32 $0x2004, v0  }
0x107: {  	v4 =	vor.u32 v4, v2;
	_ =	sdelay $0x3  }
0x108: {  	[tilespmem:$0x42C0] =	vst v3  }
0x109: {  	v3 =	vld.idx.msk [tilespmem:v4+s9+$0x0], $0xffff;
	v4 =	vor.u32 $0x2005, v0  }
0x10a: {  	v4 =	vor.u32 v4, v2;
	_ =	sdelay $0x3  }
0x10b: {  	[tilespmem:$0x4340] =	vst v3  }
0x10c: {  	v3 =	vld.idx.msk [tilespmem:v4+s9+$0x0], $0xffff;
	v4 =	vor.u32 $0x2006, v0  }
0x10d: {  	v4 =	vor.u32 v4, v2;
	_ =	sdelay $0x3  }
0x10e: {  	[tilespmem:$0x43C0] =	vst v3  }
0x10f: {  	v3 =	vld.idx.msk [tilespmem:v4+s9+$0x0], $0xffff;
	v4 =	vor.u32 $0x2007, v0  }
0x110: {  	v4 =	vor.u32 v4, v2;
	_ =	sdelay $0x3  }
0x111: {  	[tilespmem:$0x4440] =	vst v3  }
0x112: {  	v3 =	vld.idx.msk [tilespmem:v4+s9+$0x0], $0xffff;
	v4 =	vor.u32 $0x2008, v0  }
0x113: {  	v4 =	vor.u32 v4, v2;
	_ =	sdelay $0x3  }
0x114: {  	[tilespmem:$0x44C0] =	vst v3  }
0x115: {  	v3 =	vld.idx.msk [tilespmem:v4+s9+$0x0], $0xffff;
	v4 =	vor.u32 $0x2009, v0  }
0x116: {  	v4 =	vor.u32 v4, v2;
	_ =	sdelay $0x3  }
0x117: {  	[tilespmem:$0x4540] =	vst v3  }
0x118: {  	v3 =	vld.idx.msk [tilespmem:v4+s9+$0x0], $0xffff;
	v4 =	vor.u32 $0x200A, v0  }
0x119: {  	v4 =	vor.u32 v4, v2;
	_ =	sdelay $0x3  }
0x11a: {  	[tilespmem:$0x45C0] =	vst v3  }
0x11b: {  	v3 =	vld.idx.msk [tilespmem:v4+s9+$0x0], $0xffff;
	v4 =	vor.u32 $0x200B, v0  }
0x11c: {  	v4 =	vor.u32 v4, v2;
	_ =	sdelay $0x3  }
0x11d: {  	[tilespmem:$0x4640] =	vst v3  }
0x11e: {  	v3 =	vld.idx.msk [tilespmem:v4+s9+$0x0], $0xffff;
	v4 =	vor.u32 $0x200C, v0  }
0x11f: {  	v4 =	vor.u32 v4, v2;
	_ =	sdelay $0x3  }
0x120: {  	[tilespmem:$0x46C0] =	vst v3  }
0x121: {  	v3 =	vld.idx.msk [tilespmem:v4+s9+$0x0], $0xffff;
	v4 =	vor.u32 $0x200D, v0  }
0x122: {  	v4 =	vor.u32 v4, v2;
	_ =	sdelay $0x3  }
0x123: {  	[tilespmem:$0x4740] =	vst v3  }
0x124: {  	v3 =	vld.idx.msk [tilespmem:v4+s9+$0x0], $0xffff;
	v4 =	vor.u32 $0x200E, v0  }
0x125: {  	v4 =	vor.u32 v4, v2;
	_ =	sdelay $0x3  }
0x126: {  	[tilespmem:$0x47C0] =	vst v3;
	v3 =	vld [tilespmem:$0x50]  }
0x127: {  	v5 =	vor.u32 $0x200F, v0;
	v4 =	vld.idx.msk [tilespmem:v4+s9+$0x0], $0xffff  }
0x128: {  	v2 =	vor.u32 v5, v2;
	_ =	sdelay $0x2  }
0x129: {  	v3 =	vshll.u32 v3, $0x6  }
0x12a: {  	[tilespmem:$0x4840] =	vst v4;
	v3 =	vand.u32 $0x40, v3  }
0x12b: {  	v4 =	vor.u32 $0x2800, v0;
	v2 =	vld.idx.msk [tilespmem:v2+s9+$0x0], $0xffff;
	v3 =	vor.u32 v1, v3  }
0x12c: {  	v4 =	vor.u32 v4, v3;
	_ =	sdelay $0x3  }
0x12d: {  	[tilespmem:$0x48C0] =	vst v2  }
0x12e: {  	v2 =	vld.idx.msk [tilespmem:v4+s9+$0x0], $0xffff;
	v4 =	vor.u32 $0x2801, v0  }
0x12f: {  	v4 =	vor.u32 v4, v3;
	_ =	sdelay $0x3  }
0x130: {  	[tilespmem:$0x4150] =	vst v2  }
0x131: {  	v2 =	vld.idx.msk [tilespmem:v4+s9+$0x0], $0xffff;
	v4 =	vor.u32 $0x2802, v0  }
0x132: {  	v4 =	vor.u32 v4, v3;
	_ =	sdelay $0x3  }
0x133: {  	[tilespmem:$0x41D0] =	vst v2  }
0x134: {  	v2 =	vld.idx.msk [tilespmem:v4+s9+$0x0], $0xffff;
	v4 =	vor.u32 $0x2803, v0  }
0x135: {  	v4 =	vor.u32 v4, v3;
	_ =	sdelay $0x3  }
0x136: {  	[tilespmem:$0x4250] =	vst v2  }
0x137: {  	v2 =	vld.idx.msk [tilespmem:v4+s9+$0x0], $0xffff;
	v4 =	vor.u32 $0x2804, v0  }
0x138: {  	v4 =	vor.u32 v4, v3;
	_ =	sdelay $0x3  }
0x139: {  	[tilespmem:$0x42D0] =	vst v2  }
0x13a: {  	v2 =	vld.idx.msk [tilespmem:v4+s9+$0x0], $0xffff;
	v4 =	vor.u32 $0x2805, v0  }
0x13b: {  	v4 =	vor.u32 v4, v3;
	_ =	sdelay $0x3  }
0x13c: {  	[tilespmem:$0x4350] =	vst v2  }
0x13d: {  	v2 =	vld.idx.msk [tilespmem:v4+s9+$0x0], $0xffff;
	v4 =	vor.u32 $0x2806, v0  }
0x13e: {  	v4 =	vor.u32 v4, v3;
	_ =	sdelay $0x3  }
0x13f: {  	[tilespmem:$0x43D0] =	vst v2  }
0x140: {  	v2 =	vld.idx.msk [tilespmem:v4+s9+$0x0], $0xffff;
	v4 =	vor.u32 $0x2807, v0  }
0x141: {  	v4 =	vor.u32 v4, v3;
	_ =	sdelay $0x3  }
0x142: {  	[tilespmem:$0x4450] =	vst v2  }
0x143: {  	v2 =	vld.idx.msk [tilespmem:v4+s9+$0x0], $0xffff;
	v4 =	vor.u32 $0x2808, v0  }
0x144: {  	v4 =	vor.u32 v4, v3;
	_ =	sdelay $0x3  }
0x145: {  	[tilespmem:$0x44D0] =	vst v2  }
0x146: {  	v2 =	vld.idx.msk [tilespmem:v4+s9+$0x0], $0xffff;
	v4 =	vor.u32 $0x2809, v0  }
0x147: {  	v4 =	vor.u32 v4, v3;
	_ =	sdelay $0x3  }
0x148: {  	[tilespmem:$0x4550] =	vst v2  }
0x149: {  	v2 =	vld.idx.msk [tilespmem:v4+s9+$0x0], $0xffff;
	v4 =	vor.u32 $0x280A, v0  }
0x14a: {  	v4 =	vor.u32 v4, v3;
	_ =	sdelay $0x3  }
0x14b: {  	[tilespmem:$0x45D0] =	vst v2  }
0x14c: {  	v2 =	vld.idx.msk [tilespmem:v4+s9+$0x0], $0xffff;
	v4 =	vor.u32 $0x280B, v0  }
0x14d: {  	v4 =	vor.u32 v4, v3;
	_ =	sdelay $0x3  }
0x14e: {  	[tilespmem:$0x4650] =	vst v2  }
0x14f: {  	v2 =	vld.idx.msk [tilespmem:v4+s9+$0x0], $0xffff;
	v4 =	vor.u32 $0x280C, v0  }
0x150: {  	v4 =	vor.u32 v4, v3;
	_ =	sdelay $0x3  }
0x151: {  	[tilespmem:$0x46D0] =	vst v2  }
0x152: {  	v2 =	vld.idx.msk [tilespmem:v4+s9+$0x0], $0xffff;
	v4 =	vor.u32 $0x280D, v0  }
0x153: {  	v4 =	vor.u32 v4, v3;
	_ =	sdelay $0x3  }
0x154: {  	[tilespmem:$0x4750] =	vst v2  }
0x155: {  	v2 =	vld.idx.msk [tilespmem:v4+s9+$0x0], $0xffff;
	v4 =	vor.u32 $0x280E, v0  }
0x156: {  	v4 =	vor.u32 v4, v3;
	_ =	sdelay $0x3  }
0x157: {  	[tilespmem:$0x47D0] =	vst v2;
	v2 =	vld [tilespmem:$0x60]  }
0x158: {  	v5 =	vor.u32 $0x280F, v0;
	v4 =	vld.idx.msk [tilespmem:v4+s9+$0x0], $0xffff  }
0x159: {  	v3 =	vor.u32 v5, v3;
	_ =	sdelay $0x2  }
0x15a: {  	v2 =	vshll.u32 v2, $0x6  }
0x15b: {  	[tilespmem:$0x4850] =	vst v4;
	v2 =	vand.u32 $0x40, v2  }
0x15c: {  	v4 =	vor.u32 $0x3000, v0;
	v3 =	vld.idx.msk [tilespmem:v3+s9+$0x0], $0xffff;
	v2 =	vor.u32 v1, v2  }
0x15d: {  	v4 =	vor.u32 v4, v2;
	_ =	sdelay $0x3  }
0x15e: {  	[tilespmem:$0x48D0] =	vst v3  }
0x15f: {  	v3 =	vld.idx.msk [tilespmem:v4+s9+$0x0], $0xffff;
	v4 =	vor.u32 $0x3001, v0  }
0x160: {  	v4 =	vor.u32 v4, v2;
	_ =	sdelay $0x3  }
0x161: {  	[tilespmem:$0x4160] =	vst v3  }
0x162: {  	v3 =	vld.idx.msk [tilespmem:v4+s9+$0x0], $0xffff;
	v4 =	vor.u32 $0x3002, v0  }
0x163: {  	v4 =	vor.u32 v4, v2;
	_ =	sdelay $0x3  }
0x164: {  	[tilespmem:$0x41E0] =	vst v3  }
0x165: {  	v3 =	vld.idx.msk [tilespmem:v4+s9+$0x0], $0xffff;
	v4 =	vor.u32 $0x3003, v0  }
0x166: {  	v4 =	vor.u32 v4, v2;
	_ =	sdelay $0x3  }
0x167: {  	[tilespmem:$0x4260] =	vst v3  }
0x168: {  	v3 =	vld.idx.msk [tilespmem:v4+s9+$0x0], $0xffff;
	v4 =	vor.u32 $0x3004, v0  }
0x169: {  	v4 =	vor.u32 v4, v2;
	_ =	sdelay $0x3  }
0x16a: {  	[tilespmem:$0x42E0] =	vst v3  }
0x16b: {  	v3 =	vld.idx.msk [tilespmem:v4+s9+$0x0], $0xffff;
	v4 =	vor.u32 $0x3005, v0  }
0x16c: {  	v4 =	vor.u32 v4, v2;
	_ =	sdelay $0x3  }
0x16d: {  	[tilespmem:$0x4360] =	vst v3  }
0x16e: {  	v3 =	vld.idx.msk [tilespmem:v4+s9+$0x0], $0xffff;
	v4 =	vor.u32 $0x3006, v0  }
0x16f: {  	v4 =	vor.u32 v4, v2;
	_ =	sdelay $0x3  }
0x170: {  	[tilespmem:$0x43E0] =	vst v3  }
0x171: {  	v3 =	vld.idx.msk [tilespmem:v4+s9+$0x0], $0xffff;
	v4 =	vor.u32 $0x3007, v0  }
0x172: {  	v4 =	vor.u32 v4, v2;
	_ =	sdelay $0x3  }
0x173: {  	[tilespmem:$0x4460] =	vst v3  }
0x174: {  	v3 =	vld.idx.msk [tilespmem:v4+s9+$0x0], $0xffff;
	v4 =	vor.u32 $0x3008, v0  }
0x175: {  	v4 =	vor.u32 v4, v2;
	_ =	sdelay $0x3  }
0x176: {  	[tilespmem:$0x44E0] =	vst v3  }
0x177: {  	v3 =	vld.idx.msk [tilespmem:v4+s9+$0x0], $0xffff;
	v4 =	vor.u32 $0x3009, v0  }
0x178: {  	v4 =	vor.u32 v4, v2;
	_ =	sdelay $0x3  }
0x179: {  	[tilespmem:$0x4560] =	vst v3  }
0x17a: {  	v3 =	vld.idx.msk [tilespmem:v4+s9+$0x0], $0xffff;
	v4 =	vor.u32 $0x300A, v0  }
0x17b: {  	v4 =	vor.u32 v4, v2;
	_ =	sdelay $0x3  }
0x17c: {  	[tilespmem:$0x45E0] =	vst v3  }
0x17d: {  	v3 =	vld.idx.msk [tilespmem:v4+s9+$0x0], $0xffff;
	v4 =	vor.u32 $0x300B, v0  }
0x17e: {  	v4 =	vor.u32 v4, v2;
	_ =	sdelay $0x3  }
0x17f: {  	[tilespmem:$0x4660] =	vst v3  }
0x180: {  	v3 =	vld.idx.msk [tilespmem:v4+s9+$0x0], $0xffff;
	v4 =	vor.u32 $0x300C, v0  }
0x181: {  	v4 =	vor.u32 v4, v2;
	_ =	sdelay $0x3  }
0x182: {  	[tilespmem:$0x46E0] =	vst v3  }
0x183: {  	v3 =	vld.idx.msk [tilespmem:v4+s9+$0x0], $0xffff;
	v4 =	vor.u32 $0x300D, v0  }
0x184: {  	v4 =	vor.u32 v4, v2;
	_ =	sdelay $0x3  }
0x185: {  	[tilespmem:$0x4760] =	vst v3  }
0x186: {  	v3 =	vld.idx.msk [tilespmem:v4+s9+$0x0], $0xffff;
	v4 =	vor.u32 $0x300E, v0  }
0x187: {  	v4 =	vor.u32 v4, v2;
	_ =	sdelay $0x3  }
0x188: {  	[tilespmem:$0x47E0] =	vst v3;
	v3 =	vld [tilespmem:$0x70]  }
0x189: {  	v5 =	vor.u32 $0x300F, v0;
	v4 =	vld.idx.msk [tilespmem:v4+s9+$0x0], $0xffff  }
0x18a: {  	v2 =	vor.u32 v5, v2;
	_ =	sdelay $0x2  }
0x18b: {  	v3 =	vshll.u32 v3, $0x6  }
0x18c: {  	[tilespmem:$0x4860] =	vst v4;
	v3 =	vand.u32 $0x40, v3  }
0x18d: {  	v4 =	vor.u32 $0x3800, v0;
	v2 =	vld.idx.msk [tilespmem:v2+s9+$0x0], $0xffff;
	v3 =	vor.u32 v1, v3  }
0x18e: {  	v4 =	vor.u32 v4, v3;
	_ =	sdelay $0x3  }
0x18f: {  	[tilespmem:$0x48E0] =	vst v2  }
0x190: {  	v2 =	vld.idx.msk [tilespmem:v4+s9+$0x0], $0xffff;
	v4 =	vor.u32 $0x3801, v0  }
0x191: {  	v4 =	vor.u32 v4, v3;
	_ =	sdelay $0x3  }
0x192: {  	[tilespmem:$0x4170] =	vst v2  }
0x193: {  	v2 =	vld.idx.msk [tilespmem:v4+s9+$0x0], $0xffff;
	v4 =	vor.u32 $0x3802, v0  }
0x194: {  	v4 =	vor.u32 v4, v3;
	_ =	sdelay $0x3  }
0x195: {  	[tilespmem:$0x41F0] =	vst v2  }
0x196: {  	v2 =	vld.idx.msk [tilespmem:v4+s9+$0x0], $0xffff;
	v4 =	vor.u32 $0x3803, v0  }
0x197: {  	v4 =	vor.u32 v4, v3;
	_ =	sdelay $0x3  }
0x198: {  	[tilespmem:$0x4270] =	vst v2  }
0x199: {  	v2 =	vld.idx.msk [tilespmem:v4+s9+$0x0], $0xffff;
	v4 =	vor.u32 $0x3804, v0  }
0x19a: {  	v4 =	vor.u32 v4, v3;
	_ =	sdelay $0x3  }
0x19b: {  	[tilespmem:$0x42F0] =	vst v2  }
0x19c: {  	v2 =	vld.idx.msk [tilespmem:v4+s9+$0x0], $0xffff;
	v4 =	vor.u32 $0x3805, v0  }
0x19d: {  	v4 =	vor.u32 v4, v3;
	_ =	sdelay $0x3  }
0x19e: {  	[tilespmem:$0x4370] =	vst v2  }
0x19f: {  	v2 =	vld.idx.msk [tilespmem:v4+s9+$0x0], $0xffff;
	v4 =	vor.u32 $0x3806, v0  }
0x1a0: {  	v4 =	vor.u32 v4, v3;
	_ =	sdelay $0x3  }
0x1a1: {  	[tilespmem:$0x43F0] =	vst v2  }
0x1a2: {  	v2 =	vld.idx.msk [tilespmem:v4+s9+$0x0], $0xffff;
	v4 =	vor.u32 $0x3807, v0  }
0x1a3: {  	v4 =	vor.u32 v4, v3;
	_ =	sdelay $0x3  }
0x1a4: {  	[tilespmem:$0x4470] =	vst v2  }
0x1a5: {  	v2 =	vld.idx.msk [tilespmem:v4+s9+$0x0], $0xffff;
	v4 =	vor.u32 $0x3808, v0  }
0x1a6: {  	v4 =	vor.u32 v4, v3;
	_ =	sdelay $0x3  }
0x1a7: {  	[tilespmem:$0x44F0] =	vst v2  }
0x1a8: {  	v2 =	vld.idx.msk [tilespmem:v4+s9+$0x0], $0xffff;
	v4 =	vor.u32 $0x3809, v0  }
0x1a9: {  	v4 =	vor.u32 v4, v3;
	_ =	sdelay $0x3  }
0x1aa: {  	[tilespmem:$0x4570] =	vst v2  }
0x1ab: {  	v2 =	vld.idx.msk [tilespmem:v4+s9+$0x0], $0xffff;
	v4 =	vor.u32 $0x380A, v0  }
0x1ac: {  	v4 =	vor.u32 v4, v3;
	_ =	sdelay $0x3  }
0x1ad: {  	[tilespmem:$0x45F0] =	vst v2  }
0x1ae: {  	v2 =	vld.idx.msk [tilespmem:v4+s9+$0x0], $0xffff;
	v4 =	vor.u32 $0x380B, v0  }
0x1af: {  	v4 =	vor.u32 v4, v3;
	_ =	sdelay $0x3  }
0x1b0: {  	[tilespmem:$0x4670] =	vst v2  }
0x1b1: {  	v2 =	vld.idx.msk [tilespmem:v4+s9+$0x0], $0xffff;
	v4 =	vor.u32 $0x380C, v0  }
0x1b2: {  	v4 =	vor.u32 v4, v3;
	_ =	sdelay $0x3  }
0x1b3: {  	[tilespmem:$0x46F0] =	vst v2  }
0x1b4: {  	v2 =	vld.idx.msk [tilespmem:v4+s9+$0x0], $0xffff;
	v4 =	vor.u32 $0x380D, v0  }
0x1b5: {  	v4 =	vor.u32 v4, v3;
	_ =	sdelay $0x3  }
0x1b6: {  	[tilespmem:$0x4770] =	vst v2  }
0x1b7: {  	v2 =	vld.idx.msk [tilespmem:v4+s9+$0x0], $0xffff;
	v4 =	vor.u32 $0x380E, v0  }
0x1b8: {  	v4 =	vor.u32 v4, v3;
	_ =	sdelay $0x3  }
0x1b9: {  	[tilespmem:$0x47F0] =	vst v2  }
0x1ba: {  	v2 =	vld.idx.msk [tilespmem:v4+s9+$0x0], $0xffff;
	v4 =	vor.u32 $0x380F, v0  }
0x1bb: {  	v3 =	vor.u32 v4, v3;
	_ =	sdelay $0x3  }
0x1bc: {  	[tilespmem:$0x4870] =	vst v2  }
0x1bd: {  	v2 =	vld.idx.msk [tilespmem:v3+s9+$0x0], $0xffff;
	_ =	sdelay $0x3  }
0x1be: {  	p0 =	sne.s32 s6, $0x1  }
.Ltmp0:
0x1bf: {  	[tilespmem:$0x48F0] =	vst v2;
	(pc) =	sbr.rel @p0 .LBB2_1-.Ltmp0, $4  }
0x1c0: {  	[hbm4b:s5+s11] =	stream.strided.scatter [tilespmem:s13], [sflag:$0x2], $0x800, s12, s11, $0x38;
	[tilespmem:$0x4900] =	vst v63  }
0x1c1: {  	_ =	swait.ge [sflag:s7], $0x800  }
0x1c2: {  	[sflag:s7] =	ssyncset.done $0x0  }
0x1c3: {  	s6 =	sadd.s32 $0xFFFFFFFF, s6;
	[sflag:s7] =	ssyncadd.s32 $0xFFFFF800  }
0x1c4: {  	_ =	sfence.sel $0x180000  }
0x1c5: {  	[bflag:$0x0] =	sbarrier.arrive $0xFFFF  }
0x1c6: {  	p0 =	sne.s32 s0, $0x0;
	_ =	strace $0x90000047  }
0x1c7: {  	s0 =	sadd.s32 @!p0 $0x100000, s1;
	[bflag:$0x2] =	sbarrier.arrive $0xFFFF  }
0x1c8: {  	[sflag:s0] =	ssyncadd.tile.s32 @!p0 $0x1;
	_ =	shalt  }
.Lfunc_end2:
_tile_overlayer_lowered:
.L_overlay_start_2:
0x1c9: {  	(tag) =	ssettag $0x2  }
0x1ca: {  	s0 =	rddreg [dreg:$0x0];
	s2 =	stileid.u32  }
0x1cb: {  	s1 =	rddreg [dreg:$0x1];
	p0 =	sne.s32 s2, $0x0  }
0x1cc: {  	s3 =	rddreg [dreg:$0x2];
	[bflag:$0x3] =	sbarrier.arrive $0xFFFF;
	s2 =	simm.s32 @!p0 $0x1C02  }
0x1cd: {  	[timem:s3], [sflag:s2] =	dma.local @!p0 [hbm:s0], s1  }
0x1ce: {  	s0 =	simm.s32 @!p0 $0x2  }
0x1cf: {  	_ =	swait.ge @!p0 [sflag:s0], s1  }
0x1d0: {  	s1 =	ssub.s32 @!p0 $0x0, s1;
	[sflag:s0] =	ssyncset.done @!p0 $0x0  }
0x1d1: {  	[sflag:s0] =	ssyncadd.s32 @!p0 s1  }
0x1d2: {  	[bflag:$0x3] =	sbarrier.arrive $0xFFFF  }
0x1d3: {  	_ =	shalt  }

</sc_bundles>
